<compile_context>
chip_gen: v7x
topology: tpu7x:2x2x1
jax: 0.10.2.dev20260603
libtpu: 0.0.44.dev20260713+nightly
codegen_flags: <defaults>
</compile_context>

<pallas_src>
import dataclasses
import functools

import jax
import jax.numpy as jnp
from jax import lax
from jax.experimental import pallas as pl
from jax.experimental.pallas import tpu as pltpu
from jax.experimental.pallas import tpu_sc as plsc

N = 10000
E = 320000
D = 128
NP = 10240

NC = 2
NS = 16
NW = NC * NS
CHUNK = 128
EPW = 10240
NCH = EPW // CHUNK
EPAD = EPW * NW
RPS = NP // NS

_mesh = plsc.VectorSubcoreMesh(core_axis_name="c", subcore_axis_name="s")

_cp_no_layout = pltpu.CompilerParams()
if "needs_layout_passes" in pltpu.CompilerParams.__dataclass_fields__:
    _cp_no_layout = dataclasses.replace(_cp_no_layout, needs_layout_passes=False)


@functools.partial(
    pl.kernel,
    out_type=jax.ShapeDtypeStruct((NC, NP, D), jnp.float32),
    mesh=_mesh,
    scratch_types=[
        pltpu.VMEM((NCH, CHUNK), jnp.int32),
        pltpu.VMEM((CHUNK,), jnp.int32),
        pltpu.VMEM((CHUNK,), jnp.int32),
        pltpu.VMEM((CHUNK, D), jnp.float32),
        pltpu.VMEM((CHUNK, D), jnp.float32),
        pltpu.VMEM_SHARED((NP, D), jnp.float32),
        pltpu.SemaphoreType.DMA,
        pltpu.SemaphoreType.DMA,
        pltpu.SemaphoreType.DMA,
        pltpu.SemaphoreType.DMA,
    ],
)
def _agg(x_hbm, src_hbm, dst_hbm, z_hbm, out_hbm, src_sl, dstv0, dstv1,
         rows0, rows1, acc_sh, sem0, sem1, semd0, semd1):
    c = lax.axis_index("c")
    s = lax.axis_index("s")
    wid = s * NC + c

    pltpu.sync_copy(z_hbm.at[pl.ds(s * RPS, RPS)],
                    acc_sh.at[pl.ds(s * RPS, RPS)])
    pltpu.sync_copy(src_hbm.at[wid], src_sl)
    plsc.subcore_barrier()

    pltpu.async_copy(x_hbm.at[src_sl.at[0]], rows0, sem0)
    pltpu.async_copy(dst_hbm.at[wid, pl.ds(0, CHUNK)], dstv0, semd0)
    pltpu.async_copy(x_hbm.at[src_sl.at[1]], rows1, sem1)
    pltpu.async_copy(dst_hbm.at[wid, pl.ds(CHUNK, CHUNK)], dstv1, semd1)

    @pl.loop(0, NCH - 2, step=2)
    def _(j):
        pltpu.make_async_copy(x_hbm.at[src_sl.at[j]], rows0, sem0).wait()
        pltpu.make_async_copy(dst_hbm.at[wid, pl.ds(j * CHUNK, CHUNK)], dstv0, semd0).wait()
        pltpu.sync_copy(rows0, acc_sh.at[dstv0], add=True)
        pltpu.async_copy(x_hbm.at[src_sl.at[j + 2]], rows0, sem0)
        pltpu.async_copy(dst_hbm.at[wid, pl.ds((j + 2) * CHUNK, CHUNK)], dstv0, semd0)
        pltpu.make_async_copy(x_hbm.at[src_sl.at[j + 1]], rows1, sem1).wait()
        pltpu.make_async_copy(dst_hbm.at[wid, pl.ds((j + 1) * CHUNK, CHUNK)], dstv1, semd1).wait()
        pltpu.sync_copy(rows1, acc_sh.at[dstv1], add=True)
        pltpu.async_copy(x_hbm.at[src_sl.at[j + 3]], rows1, sem1)
        pltpu.async_copy(dst_hbm.at[wid, pl.ds((j + 3) * CHUNK, CHUNK)], dstv1, semd1)

    pltpu.make_async_copy(x_hbm.at[src_sl.at[NCH - 2]], rows0, sem0).wait()
    pltpu.make_async_copy(dst_hbm.at[wid, pl.ds((NCH - 2) * CHUNK, CHUNK)], dstv0, semd0).wait()
    pltpu.sync_copy(rows0, acc_sh.at[dstv0], add=True)
    pltpu.make_async_copy(x_hbm.at[src_sl.at[NCH - 1]], rows1, sem1).wait()
    pltpu.make_async_copy(dst_hbm.at[wid, pl.ds((NCH - 1) * CHUNK, CHUNK)], dstv1, semd1).wait()
    pltpu.sync_copy(rows1, acc_sh.at[dstv1], add=True)

    plsc.subcore_barrier()
    pltpu.sync_copy(acc_sh.at[pl.ds(s * RPS, RPS)],
                    out_hbm.at[c, pl.ds(s * RPS, RPS)])


@functools.partial(
    pl.kernel,
    out_type=jax.ShapeDtypeStruct((NC, NP), jnp.float32),
    mesh=_mesh,
    scratch_types=[
        pltpu.VMEM((EPW,), jnp.int32),
        pltpu.VMEM((NP,), jnp.float32),
        pltpu.VMEM((NS, RPS), jnp.float32),
        pltpu.VMEM_SHARED((NS, NP), jnp.float32),
    ],
    compiler_params=_cp_no_layout,
)
def _count(dst_hbm, out_hbm, dst_fl, hist_v, tmp_v, stage_sh):
    c = lax.axis_index("c")
    s = lax.axis_index("s")
    wid = s * NC + c

    pltpu.sync_copy(dst_hbm.at[wid], dst_fl)

    @pl.loop(0, NP // 16)
    def _(i):
        hist_v[pl.ds(i * 16, 16)] = jnp.zeros((16,), jnp.float32)

    ones16 = jnp.ones((16,), jnp.float32)

    @pl.loop(0, EPW // 16)
    def _(i):
        plsc.addupdate_scatter(hist_v, [dst_fl[pl.ds(i * 16, 16)]], ones16)

    pltpu.sync_copy(hist_v, stage_sh.at[s])
    plsc.subcore_barrier()
    pltpu.sync_copy(stage_sh.at[pl.ds(0, NS), pl.ds(s * RPS, RPS)], tmp_v)

    @pl.loop(0, RPS // 16)
    def _(i):
        sl = pl.ds(i * 16, 16)
        v = tmp_v[0, sl]
        for t in range(1, NS):
            v = v + tmp_v[t, sl]
        hist_v[sl] = v

    pltpu.sync_copy(hist_v.at[pl.ds(0, RPS)],
                    out_hbm.at[c, pl.ds(s * RPS, RPS)])


BT = 2000


def _dot_t(a, w):
    return lax.dot_general(a, w, (((1,), (1,)), ((), ())),
                           precision=lax.Precision.HIGHEST,
                           preferred_element_type=jnp.float32)


def _tc_self(x_ref, wr_ref, b_ref, o_ref):
    o_ref[...] = _dot_t(x_ref[...], wr_ref[...]) + b_ref[...]


def _tc_layer(acc_ref, cnt_ref, self_ref, wl_ref, o_ref, *, relu):
    ssum = acc_ref[0] + acc_ref[1]
    cnt = cnt_ref[0] + cnt_ref[1]
    agg = ssum * (1.0 / jnp.maximum(cnt, 1.0))
    o = _dot_t(agg, wl_ref[...]) + self_ref[...]
    o_ref[...] = jnp.maximum(o, 0.0) if relu else o


_spec_rows = pl.BlockSpec((BT, D), lambda i: (i, 0))
_spec_acc = pl.BlockSpec((NC, BT, D), lambda i: (0, i, 0))
_spec_cnt = pl.BlockSpec((NC, BT, 1), lambda i: (0, i, 0))
_spec_w = pl.BlockSpec((D, D), lambda i: (0, 0))
_spec_b = pl.BlockSpec((1, D), lambda i: (0, 0))


def _tc_self_call(rows, wr, b):
    return pl.pallas_call(
        _tc_self,
        grid=(N // BT,),
        in_specs=[_spec_rows, _spec_w, _spec_b],
        out_specs=_spec_rows,
        out_shape=jax.ShapeDtypeStruct((N, D), jnp.float32),
    )(rows, wr, b.reshape(1, D))


def _tc_layer_call(acc, cnt, selfp, wl, relu):
    return pl.pallas_call(
        functools.partial(_tc_layer, relu=relu),
        grid=(N // BT,),
        in_specs=[_spec_acc, _spec_cnt, _spec_rows, _spec_w],
        out_specs=_spec_rows,
        out_shape=jax.ShapeDtypeStruct((N, D), jnp.float32),
    )(acc, cnt, selfp, wl)


@jax.jit
def kernel(x, edge_index, W1l, b1l, W1r, W2l, b2l, W2r):
    src = edge_index[0].astype(jnp.int32)
    dst = edge_index[1].astype(jnp.int32)
    npad = EPAD - E
    pad_src = jnp.arange(npad, dtype=jnp.int32) % N
    pad_dst = N + jnp.arange(npad, dtype=jnp.int32) % (NP - N)
    src_r = jnp.concatenate([src, pad_src]).reshape(NW, NCH, CHUNK)
    dst_r = jnp.concatenate([dst, pad_dst]).reshape(NW, EPW)

    z_d = jnp.zeros((NP, D), jnp.float32)

    cnt = _count(dst_r).reshape(NC, NP, 1)
    acc1 = _agg(x, src_r, dst_r, z_d)
    self1 = _tc_self_call(x, W1r, b1l)
    h = _tc_layer_call(acc1, cnt, self1, W1l, True)

    acc2 = _agg(h, src_r, dst_r, z_d)
    self2 = _tc_self_call(h, W2r, b2l)
    return _tc_layer_call(acc2, cnt, self2, W2l, False)

# --- scband reference (transcript-rebuilt; emitter-appended) ---
"""Pipeline reference for scband-sage-74998718923051 (READ-ONLY COPY).

The authoritative reference and input builder live on the scoring server;
editing this copy changes nothing except your own understanding.
"""

import jax, jax.numpy as jnp
import numpy as np

N_NODES = 10000
N_EDGES = 320000
D_IN = 128
D_HID = 128
D_OUT = 128


def setup_inputs(seed: int = 0) -> dict:
    key = jax.random.key(seed)
    ks = jax.random.split(key, 8)
    x = jax.random.normal(ks[0], (N_NODES, D_IN), dtype=jnp.float32)
    edge_index = jax.random.randint(ks[1], (2, N_EDGES), 0, N_NODES, dtype=jnp.int64)
    s1 = 1.0 / np.sqrt(D_IN)
    s2 = 1.0 / np.sqrt(D_HID)
    W1l = jax.random.uniform(ks[2], (D_HID, D_IN), jnp.float32, -s1, s1)
    b1l = jnp.zeros((D_HID,), jnp.float32)
    W1r = jax.random.uniform(ks[3], (D_HID, D_IN), jnp.float32, -s1, s1)
    W2l = jax.random.uniform(ks[4], (D_OUT, D_HID), jnp.float32, -s2, s2)
    b2l = jnp.zeros((D_OUT,), jnp.float32)
    W2r = jax.random.uniform(ks[5], (D_OUT, D_HID), jnp.float32, -s2, s2)
    return {"x": x, "edge_index": edge_index, "W1l": W1l, "b1l": b1l, "W1r": W1r,
            "W2l": W2l, "b2l": b2l, "W2r": W2r}


def _sage_conv(x, src, dst, Wl, bl, Wr, num_nodes):
    # PyG SAGEConv with mean aggregation: out = lin_l(mean_j x_j) + lin_r(x)
    msg = jnp.take(x, src, axis=0)  # gather source features
    agg_sum = jax.ops.segment_sum(msg, dst, num_segments=num_nodes)
    cnt = jax.ops.segment_sum(jnp.ones((src.shape[0],), jnp.float32), dst, num_segments=num_nodes)
    agg = agg_sum / jnp.clip(cnt, 1.0, None)[:, None]
    return agg @ Wl.T + bl + x @ Wr.T


def reference(x, edge_index, W1l, b1l, W1r, W2l, b2l, W2r):
    # eval mode: F.dropout is identity
    src = edge_index[0]
    dst = edge_index[1]
    h = _sage_conv(x, src, dst, W1l, b1l, W1r, N_NODES)
    h = jax.nn.relu(h)
    out = _sage_conv(h, src, dst, W2l, b2l, W2r, N_NODES)
    return out

if __name__ == "__main__":
    import jax
    _d = setup_inputs()
    print(jax.jit(kernel)(*tuple(_d.values())))

</pallas_src>

<mosaic_0001>
#map = affine_map<(d0, d1) -> (0, 0)>
module attributes {stable_mosaic.version = 14 : i64} {
  func.func @_count(%arg0: i32, %arg1: i32, %arg2: memref<32x10240xi32, #tpu.memory_space<hbm>>, %arg3: memref<2x10240xf32, #tpu.memory_space<hbm>>, %arg4: memref<10240xi32, #tpu.memory_space<vmem>>, %arg5: memref<10240xf32, #tpu.memory_space<vmem>>, %arg6: memref<16x640xf32, #tpu.memory_space<vmem>>, %arg7: memref<16x10240xf32, #tpu.memory_space<vmem_shared>>) attributes {dimension_semantics = [#tpu.dimension_semantics<core_parallel>, #tpu.dimension_semantics<subcore_parallel>], iteration_bounds = array<i64: 2, 16>, scalar_prefetch = 0 : i64, scratch_operands = 4 : i64, tpu.core_type = #tpu.core_type<sc_vector_subcore>, window_params = [{transform_indices = #map}, {transform_indices = #map}]} {
    %mul3A = arith.constant 2 : i32
    %mul3A_0 = arith.muli %arg1, %mul3A : i32
    %add3A = arith.addi %mul3A_0, %arg0 : i32
    "tpu.region"() ({
      %run_scoped3A = tpu.sem_alloc : memref<!tpu.dma_semaphore, #tpu.memory_space<semaphore_mem>>
      %dma_start3A = arith.constant 0 : i32
      %dma_start3A_20 = tpu.memref_slice %arg2[%add3A, %dma_start3A] : memref<32x10240xi32, #tpu.memory_space<hbm>> -> memref<1x10240xi32, #tpu.memory_space<hbm>>
      %dma_start3A_21 = tpu.memref_squeeze %dma_start3A_20 : memref<1x10240xi32, #tpu.memory_space<hbm>> -> memref<10240xi32, #tpu.memory_space<hbm>>
      %dma_start3A_22 = arith.constant 0 : i32
      %dma_start3A_23 = tpu.memref_slice %arg2[%add3A, %dma_start3A_22] : memref<32x10240xi32, #tpu.memory_space<hbm>> -> memref<1x10240xi32, #tpu.memory_space<hbm>>
      %dma_start3A_24 = tpu.memref_squeeze %dma_start3A_23 : memref<1x10240xi32, #tpu.memory_space<hbm>> -> memref<10240xi32, #tpu.memory_space<hbm>>
      tpu.enqueue_dma source(%dma_start3A_24 : memref<10240xi32, #tpu.memory_space<hbm>>) target(%arg4 : memref<10240xi32, #tpu.memory_space<vmem>>) target_semaphore(%run_scoped3A : memref<!tpu.dma_semaphore, #tpu.memory_space<semaphore_mem>>)
      %dma_wait3A = arith.constant 0 : i32
      %dma_wait3A_25 = tpu.memref_slice %arg2[%add3A, %dma_wait3A] : memref<32x10240xi32, #tpu.memory_space<hbm>> -> memref<1x10240xi32, #tpu.memory_space<hbm>>
      %dma_wait3A_26 = tpu.memref_squeeze %dma_wait3A_25 : memref<1x10240xi32, #tpu.memory_space<hbm>> -> memref<10240xi32, #tpu.memory_space<hbm>>
      %dma_wait3A_27 = arith.constant 0 : i32
      %dma_wait3A_28 = tpu.memref_slice %arg2[%add3A, %dma_wait3A_27] : memref<32x10240xi32, #tpu.memory_space<hbm>> -> memref<1x10240xi32, #tpu.memory_space<hbm>>
      %dma_wait3A_29 = tpu.memref_squeeze %dma_wait3A_28 : memref<1x10240xi32, #tpu.memory_space<hbm>> -> memref<10240xi32, #tpu.memory_space<hbm>>
      tpu.wait_dma2 semaphore(%run_scoped3A : memref<!tpu.dma_semaphore, #tpu.memory_space<semaphore_mem>>) src(%dma_wait3A_29 : memref<10240xi32, #tpu.memory_space<hbm>>) dst(%arg4 : memref<10240xi32, #tpu.memory_space<vmem>>)
      tpu.yield
    }) : () -> ()
    %scan3A = arith.constant 0 : i32
    %scan3A_1 = arith.constant 640 : i32
    %scan3A_2 = arith.addi %scan3A, %scan3A_1 : i32
    %scan3A_3 = arith.constant 1 : i32
    scf.for %scan3A_20 = %scan3A to %scan3A_2 step %scan3A_3  : i32 {
      %mul3A_21 = arith.constant 1 : i32
      %mul3A_22 = arith.muli %scan3A_20, %mul3A_21 : i32
      %add3A_23 = arith.constant 0 : i32
      %add3A_24 = arith.addi %add3A_23, %mul3A_22 : i32
      %broadcast_in_dim3A_25 = arith.constant 0.000000e+00 : f32
      %broadcast_in_dim3A_26 = vector.broadcast %broadcast_in_dim3A_25 : f32 to vector<16xf32>
      %mul3A_27 = arith.constant 16 : i32
      %mul3A_28 = arith.muli %add3A_24, %mul3A_27 : i32
      %swap3A = arith.index_cast %mul3A_28 : i32 to index
      %swap3A_29 = tpu.vector_load %arg5[%swap3A] {strides = array<i32>} : memref<10240xf32, #tpu.memory_space<vmem>>, vector<16xf32>,
      tpu.vector_store %arg5[%swap3A], %broadcast_in_dim3A_26 {strides = array<i32>} : memref<10240xf32, #tpu.memory_space<vmem>>, vector<16xf32>,
    }
    %scan3A_4 = arith.constant 640 : i32
    %broadcast_in_dim3A = arith.constant 1.000000e+00 : f32
    %broadcast_in_dim3A_5 = vector.broadcast %broadcast_in_dim3A : f32 to vector<16xf32>
    %scan3A_6 = arith.constant 0 : i32
    %scan3A_7 = arith.constant 640 : i32
    %scan3A_8 = arith.addi %scan3A_6, %scan3A_7 : i32
    %scan3A_9 = arith.constant 1 : i32
    scf.for %scan3A_20 = %scan3A_6 to %scan3A_8 step %scan3A_9  : i32 {
      %mul3A_21 = arith.constant 1 : i32
      %mul3A_22 = arith.muli %scan3A_20, %mul3A_21 : i32
      %add3A_23 = arith.constant 0 : i32
      %add3A_24 = arith.addi %add3A_23, %mul3A_22 : i32
      %mul3A_25 = arith.constant 16 : i32
      %mul3A_26 = arith.muli %add3A_24, %mul3A_25 : i32
      %get3A = arith.index_cast %mul3A_26 : i32 to index
      %get3A_27 = tpu.vector_load %arg4[%get3A] {strides = array<i32>} : memref<10240xi32, #tpu.memory_space<vmem>>, vector<16xi32>,
      tpu.vector_store_idx %arg5[%get3A_27], %broadcast_in_dim3A_5 {add = true} : memref<10240xf32, #tpu.memory_space<vmem>>[vector<16xi32>], vector<16xf32>,
    }
    %scan3A_10 = arith.constant 640 : i32
    "tpu.region"() ({
      %run_scoped3A = tpu.sem_alloc : memref<!tpu.dma_semaphore, #tpu.memory_space<semaphore_mem>>
      %dma_start3A = arith.constant 0 : i32
      %dma_start3A_20 = tpu.memref_slice %arg7[%arg1, %dma_start3A] : memref<16x10240xf32, #tpu.memory_space<vmem_shared>> -> memref<1x10240xf32, #tpu.memory_space<vmem_shared>>
      %dma_start3A_21 = tpu.memref_squeeze %dma_start3A_20 : memref<1x10240xf32, #tpu.memory_space<vmem_shared>> -> memref<10240xf32, #tpu.memory_space<vmem_shared>>
      %dma_start3A_22 = arith.constant 0 : i32
      %dma_start3A_23 = tpu.memref_slice %arg7[%arg1, %dma_start3A_22] : memref<16x10240xf32, #tpu.memory_space<vmem_shared>> -> memref<1x10240xf32, #tpu.memory_space<vmem_shared>>
      %dma_start3A_24 = tpu.memref_squeeze %dma_start3A_23 : memref<1x10240xf32, #tpu.memory_space<vmem_shared>> -> memref<10240xf32, #tpu.memory_space<vmem_shared>>
      tpu.enqueue_dma source(%arg5 : memref<10240xf32, #tpu.memory_space<vmem>>) target(%dma_start3A_24 : memref<10240xf32, #tpu.memory_space<vmem_shared>>) target_semaphore(%run_scoped3A : memref<!tpu.dma_semaphore, #tpu.memory_space<semaphore_mem>>)
      %dma_wait3A = arith.constant 0 : i32
      %dma_wait3A_25 = tpu.memref_slice %arg7[%arg1, %dma_wait3A] : memref<16x10240xf32, #tpu.memory_space<vmem_shared>> -> memref<1x10240xf32, #tpu.memory_space<vmem_shared>>
      %dma_wait3A_26 = tpu.memref_squeeze %dma_wait3A_25 : memref<1x10240xf32, #tpu.memory_space<vmem_shared>> -> memref<10240xf32, #tpu.memory_space<vmem_shared>>
      %dma_wait3A_27 = arith.constant 0 : i32
      %dma_wait3A_28 = tpu.memref_slice %arg7[%arg1, %dma_wait3A_27] : memref<16x10240xf32, #tpu.memory_space<vmem_shared>> -> memref<1x10240xf32, #tpu.memory_space<vmem_shared>>
      %dma_wait3A_29 = tpu.memref_squeeze %dma_wait3A_28 : memref<1x10240xf32, #tpu.memory_space<vmem_shared>> -> memref<10240xf32, #tpu.memory_space<vmem_shared>>
      tpu.wait_dma2 semaphore(%run_scoped3A : memref<!tpu.dma_semaphore, #tpu.memory_space<semaphore_mem>>) src(%arg5 : memref<10240xf32, #tpu.memory_space<vmem>>) dst(%dma_wait3A_29 : memref<10240xf32, #tpu.memory_space<vmem_shared>>)
      tpu.yield
    }) : () -> ()
    %barrier3A = arith.constant 0 : index
    tpu.barrier barrier_id(%barrier3A)
    %mul3A_11 = arith.constant 640 : i32
    %mul3A_12 = arith.muli %arg1, %mul3A_11 : i32
    "tpu.region"() ({
      %run_scoped3A = tpu.sem_alloc : memref<!tpu.dma_semaphore, #tpu.memory_space<semaphore_mem>>
      %dma_start3A = arith.constant 0 : i32
      %dma_start3A_20 = tpu.memref_slice %arg7[%dma_start3A, %mul3A_12] : memref<16x10240xf32, #tpu.memory_space<vmem_shared>> -> memref<16x640xf32, #tpu.memory_space<vmem_shared>>
      %dma_start3A_21 = arith.constant 0 : i32
      %dma_start3A_22 = tpu.memref_slice %arg7[%dma_start3A_21, %mul3A_12] : memref<16x10240xf32, #tpu.memory_space<vmem_shared>> -> memref<16x640xf32, #tpu.memory_space<vmem_shared>>
      tpu.enqueue_dma source(%dma_start3A_22 : memref<16x640xf32, #tpu.memory_space<vmem_shared>>) target(%arg6 : memref<16x640xf32, #tpu.memory_space<vmem>>) target_semaphore(%run_scoped3A : memref<!tpu.dma_semaphore, #tpu.memory_space<semaphore_mem>>)
      %dma_wait3A = arith.constant 0 : i32
      %dma_wait3A_23 = tpu.memref_slice %arg7[%dma_wait3A, %mul3A_12] : memref<16x10240xf32, #tpu.memory_space<vmem_shared>> -> memref<16x640xf32, #tpu.memory_space<vmem_shared>>
      %dma_wait3A_24 = arith.constant 0 : i32
      %dma_wait3A_25 = tpu.memref_slice %arg7[%dma_wait3A_24, %mul3A_12] : memref<16x10240xf32, #tpu.memory_space<vmem_shared>> -> memref<16x640xf32, #tpu.memory_space<vmem_shared>>
      tpu.wait_dma2 semaphore(%run_scoped3A : memref<!tpu.dma_semaphore, #tpu.memory_space<semaphore_mem>>) src(%dma_wait3A_25 : memref<16x640xf32, #tpu.memory_space<vmem_shared>>) dst(%arg6 : memref<16x640xf32, #tpu.memory_space<vmem>>)
      tpu.yield
    }) : () -> ()
    %scan3A_13 = arith.constant 0 : i32
    %scan3A_14 = arith.constant 40 : i32
    %scan3A_15 = arith.addi %scan3A_13, %scan3A_14 : i32
    %scan3A_16 = arith.constant 1 : i32
    scf.for %scan3A_20 = %scan3A_13 to %scan3A_15 step %scan3A_16  : i32 {
      %mul3A_21 = arith.constant 1 : i32
      %mul3A_22 = arith.muli %scan3A_20, %mul3A_21 : i32
      %add3A_23 = arith.constant 0 : i32
      %add3A_24 = arith.addi %add3A_23, %mul3A_22 : i32
      %mul3A_25 = arith.constant 16 : i32
      %mul3A_26 = arith.muli %add3A_24, %mul3A_25 : i32
      %get3A = arith.constant 0 : i32
      %get3A_27 = arith.index_cast %get3A : i32 to index
      %get3A_28 = arith.index_cast %mul3A_26 : i32 to index
      %get3A_29 = tpu.vector_load %arg6[%get3A_27, %get3A_28] {strides = array<i32>} : memref<16x640xf32, #tpu.memory_space<vmem>>, vector<16xf32>,
      %get3A_30 = arith.constant 1 : i32
      %get3A_31 = arith.index_cast %get3A_30 : i32 to index
      %get3A_32 = arith.index_cast %mul3A_26 : i32 to index
      %get3A_33 = tpu.vector_load %arg6[%get3A_31, %get3A_32] {strides = array<i32>} : memref<16x640xf32, #tpu.memory_space<vmem>>, vector<16xf32>,
      %add3A_34 = arith.addf %get3A_29, %get3A_33 : vector<16xf32>
      %get3A_35 = arith.constant 2 : i32
      %get3A_36 = arith.index_cast %get3A_35 : i32 to index
      %get3A_37 = arith.index_cast %mul3A_26 : i32 to index
      %get3A_38 = tpu.vector_load %arg6[%get3A_36, %get3A_37] {strides = array<i32>} : memref<16x640xf32, #tpu.memory_space<vmem>>, vector<16xf32>,
      %add3A_39 = arith.addf %add3A_34, %get3A_38 : vector<16xf32>
      %get3A_40 = arith.constant 3 : i32
      %get3A_41 = arith.index_cast %get3A_40 : i32 to index
      %get3A_42 = arith.index_cast %mul3A_26 : i32 to index
      %get3A_43 = tpu.vector_load %arg6[%get3A_41, %get3A_42] {strides = array<i32>} : memref<16x640xf32, #tpu.memory_space<vmem>>, vector<16xf32>,
      %add3A_44 = arith.addf %add3A_39, %get3A_43 : vector<16xf32>
      %get3A_45 = arith.constant 4 : i32
      %get3A_46 = arith.index_cast %get3A_45 : i32 to index
      %get3A_47 = arith.index_cast %mul3A_26 : i32 to index
      %get3A_48 = tpu.vector_load %arg6[%get3A_46, %get3A_47] {strides = array<i32>} : memref<16x640xf32, #tpu.memory_space<vmem>>, vector<16xf32>,
      %add3A_49 = arith.addf %add3A_44, %get3A_48 : vector<16xf32>
      %get3A_50 = arith.constant 5 : i32
      %get3A_51 = arith.index_cast %get3A_50 : i32 to index
      %get3A_52 = arith.index_cast %mul3A_26 : i32 to index
      %get3A_53 = tpu.vector_load %arg6[%get3A_51, %get3A_52] {strides = array<i32>} : memref<16x640xf32, #tpu.memory_space<vmem>>, vector<16xf32>,
      %add3A_54 = arith.addf %add3A_49, %get3A_53 : vector<16xf32>
      %get3A_55 = arith.constant 6 : i32
      %get3A_56 = arith.index_cast %get3A_55 : i32 to index
      %get3A_57 = arith.index_cast %mul3A_26 : i32 to index
      %get3A_58 = tpu.vector_load %arg6[%get3A_56, %get3A_57] {strides = array<i32>} : memref<16x640xf32, #tpu.memory_space<vmem>>, vector<16xf32>,
      %add3A_59 = arith.addf %add3A_54, %get3A_58 : vector<16xf32>
      %get3A_60 = arith.constant 7 : i32
      %get3A_61 = arith.index_cast %get3A_60 : i32 to index
      %get3A_62 = arith.index_cast %mul3A_26 : i32 to index
      %get3A_63 = tpu.vector_load %arg6[%get3A_61, %get3A_62] {strides = array<i32>} : memref<16x640xf32, #tpu.memory_space<vmem>>, vector<16xf32>,
      %add3A_64 = arith.addf %add3A_59, %get3A_63 : vector<16xf32>
      %get3A_65 = arith.constant 8 : i32
      %get3A_66 = arith.index_cast %get3A_65 : i32 to index
      %get3A_67 = arith.index_cast %mul3A_26 : i32 to index
      %get3A_68 = tpu.vector_load %arg6[%get3A_66, %get3A_67] {strides = array<i32>} : memref<16x640xf32, #tpu.memory_space<vmem>>, vector<16xf32>,
      %add3A_69 = arith.addf %add3A_64, %get3A_68 : vector<16xf32>
      %get3A_70 = arith.constant 9 : i32
      %get3A_71 = arith.index_cast %get3A_70 : i32 to index
      %get3A_72 = arith.index_cast %mul3A_26 : i32 to index
      %get3A_73 = tpu.vector_load %arg6[%get3A_71, %get3A_72] {strides = array<i32>} : memref<16x640xf32, #tpu.memory_space<vmem>>, vector<16xf32>,
      %add3A_74 = arith.addf %add3A_69, %get3A_73 : vector<16xf32>
      %get3A_75 = arith.constant 10 : i32
      %get3A_76 = arith.index_cast %get3A_75 : i32 to index
      %get3A_77 = arith.index_cast %mul3A_26 : i32 to index
      %get3A_78 = tpu.vector_load %arg6[%get3A_76, %get3A_77] {strides = array<i32>} : memref<16x640xf32, #tpu.memory_space<vmem>>, vector<16xf32>,
      %add3A_79 = arith.addf %add3A_74, %get3A_78 : vector<16xf32>
      %get3A_80 = arith.constant 11 : i32
      %get3A_81 = arith.index_cast %get3A_80 : i32 to index
      %get3A_82 = arith.index_cast %mul3A_26 : i32 to index
      %get3A_83 = tpu.vector_load %arg6[%get3A_81, %get3A_82] {strides = array<i32>} : memref<16x640xf32, #tpu.memory_space<vmem>>, vector<16xf32>,
      %add3A_84 = arith.addf %add3A_79, %get3A_83 : vector<16xf32>
      %get3A_85 = arith.constant 12 : i32
      %get3A_86 = arith.index_cast %get3A_85 : i32 to index
      %get3A_87 = arith.index_cast %mul3A_26 : i32 to index
      %get3A_88 = tpu.vector_load %arg6[%get3A_86, %get3A_87] {strides = array<i32>} : memref<16x640xf32, #tpu.memory_space<vmem>>, vector<16xf32>,
      %add3A_89 = arith.addf %add3A_84, %get3A_88 : vector<16xf32>
      %get3A_90 = arith.constant 13 : i32
      %get3A_91 = arith.index_cast %get3A_90 : i32 to index
      %get3A_92 = arith.index_cast %mul3A_26 : i32 to index
      %get3A_93 = tpu.vector_load %arg6[%get3A_91, %get3A_92] {strides = array<i32>} : memref<16x640xf32, #tpu.memory_space<vmem>>, vector<16xf32>,
      %add3A_94 = arith.addf %add3A_89, %get3A_93 : vector<16xf32>
      %get3A_95 = arith.constant 14 : i32
      %get3A_96 = arith.index_cast %get3A_95 : i32 to index
      %get3A_97 = arith.index_cast %mul3A_26 : i32 to index
      %get3A_98 = tpu.vector_load %arg6[%get3A_96, %get3A_97] {strides = array<i32>} : memref<16x640xf32, #tpu.memory_space<vmem>>, vector<16xf32>,
      %add3A_99 = arith.addf %add3A_94, %get3A_98 : vector<16xf32>
      %get3A_100 = arith.constant 15 : i32
      %get3A_101 = arith.index_cast %get3A_100 : i32 to index
      %get3A_102 = arith.index_cast %mul3A_26 : i32 to index
      %get3A_103 = tpu.vector_load %arg6[%get3A_101, %get3A_102] {strides = array<i32>} : memref<16x640xf32, #tpu.memory_space<vmem>>, vector<16xf32>,
      %add3A_104 = arith.addf %add3A_99, %get3A_103 : vector<16xf32>
      %swap3A = arith.index_cast %mul3A_26 : i32 to index
      %swap3A_105 = tpu.vector_load %arg5[%swap3A] {strides = array<i32>} : memref<10240xf32, #tpu.memory_space<vmem>>, vector<16xf32>,
      tpu.vector_store %arg5[%swap3A], %add3A_104 {strides = array<i32>} : memref<10240xf32, #tpu.memory_space<vmem>>, vector<16xf32>,
    }
    %scan3A_17 = arith.constant 40 : i32
    %mul3A_18 = arith.constant 640 : i32
    %mul3A_19 = arith.muli %arg1, %mul3A_18 : i32
    "tpu.region"() ({
      %run_scoped3A = tpu.sem_alloc : memref<!tpu.dma_semaphore, #tpu.memory_space<semaphore_mem>>
      %dma_start3A = arith.constant 0 : i32
      %dma_start3A_20 = tpu.memref_slice %arg5[%dma_start3A] : memref<10240xf32, #tpu.memory_space<vmem>> -> memref<640xf32, #tpu.memory_space<vmem>>
      %dma_start3A_21 = tpu.memref_slice %arg3[%arg0, %mul3A_19] : memref<2x10240xf32, #tpu.memory_space<hbm>> -> memref<1x640xf32, #tpu.memory_space<hbm>>
      %dma_start3A_22 = tpu.memref_squeeze %dma_start3A_21 : memref<1x640xf32, #tpu.memory_space<hbm>> -> memref<640xf32, #tpu.memory_space<hbm>>
      %dma_start3A_23 = tpu.memref_slice %arg3[%arg0, %mul3A_19] : memref<2x10240xf32, #tpu.memory_space<hbm>> -> memref<1x640xf32, #tpu.memory_space<hbm>>
      %dma_start3A_24 = tpu.memref_squeeze %dma_start3A_23 : memref<1x640xf32, #tpu.memory_space<hbm>> -> memref<640xf32, #tpu.memory_space<hbm>>
      %dma_start3A_25 = arith.constant 0 : i32
      %dma_start3A_26 = tpu.memref_slice %arg5[%dma_start3A_25] : memref<10240xf32, #tpu.memory_space<vmem>> -> memref<640xf32, #tpu.memory_space<vmem>>
      tpu.enqueue_dma source(%dma_start3A_26 : memref<640xf32, #tpu.memory_space<vmem>>) target(%dma_start3A_24 : memref<640xf32, #tpu.memory_space<hbm>>) target_semaphore(%run_scoped3A : memref<!tpu.dma_semaphore, #tpu.memory_space<semaphore_mem>>)
      %dma_wait3A = arith.constant 0 : i32
      %dma_wait3A_27 = tpu.memref_slice %arg5[%dma_wait3A] : memref<10240xf32, #tpu.memory_space<vmem>> -> memref<640xf32, #tpu.memory_space<vmem>>
      %dma_wait3A_28 = tpu.memref_slice %arg3[%arg0, %mul3A_19] : memref<2x10240xf32, #tpu.memory_space<hbm>> -> memref<1x640xf32, #tpu.memory_space<hbm>>
      %dma_wait3A_29 = tpu.memref_squeeze %dma_wait3A_28 : memref<1x640xf32, #tpu.memory_space<hbm>> -> memref<640xf32, #tpu.memory_space<hbm>>
      %dma_wait3A_30 = tpu.memref_slice %arg3[%arg0, %mul3A_19] : memref<2x10240xf32, #tpu.memory_space<hbm>> -> memref<1x640xf32, #tpu.memory_space<hbm>>
      %dma_wait3A_31 = tpu.memref_squeeze %dma_wait3A_30 : memref<1x640xf32, #tpu.memory_space<hbm>> -> memref<640xf32, #tpu.memory_space<hbm>>
      %dma_wait3A_32 = arith.constant 0 : i32
      %dma_wait3A_33 = tpu.memref_slice %arg5[%dma_wait3A_32] : memref<10240xf32, #tpu.memory_space<vmem>> -> memref<640xf32, #tpu.memory_space<vmem>>
      tpu.wait_dma2 semaphore(%run_scoped3A : memref<!tpu.dma_semaphore, #tpu.memory_space<semaphore_mem>>) src(%dma_wait3A_33 : memref<640xf32, #tpu.memory_space<vmem>>) dst(%dma_wait3A_31 : memref<640xf32, #tpu.memory_space<hbm>>)
      tpu.yield
    }) : () -> ()
    return
  }
}

#map = affine_map<(d0, d1) -> (0, 0)>
#map1 = affine_map<(d0, d1) -> (0, 0, 0)>
module attributes {stable_mosaic.version = 14 : i64} {
  func.func @_agg(%arg0: i32, %arg1: i32, %arg2: memref<10000x128xf32, #tpu.memory_space<hbm>>, %arg3: memref<32x80x128xi32, #tpu.memory_space<hbm>>, %arg4: memref<32x10240xi32, #tpu.memory_space<hbm>>, %arg5: memref<10240x128xf32, #tpu.memory_space<hbm>>, %arg6: memref<2x10240x128xf32, #tpu.memory_space<hbm>>, %arg7: memref<80x128xi32, #tpu.memory_space<vmem>>, %arg8: memref<128xi32, #tpu.memory_space<vmem>>, %arg9: memref<128xi32, #tpu.memory_space<vmem>>, %arg10: memref<128x128xf32, #tpu.memory_space<vmem>>, %arg11: memref<128x128xf32, #tpu.memory_space<vmem>>, %arg12: memref<10240x128xf32, #tpu.memory_space<vmem_shared>>, %arg13: memref<!tpu.dma_semaphore, #tpu.memory_space<semaphore_mem>>, %arg14: memref<!tpu.dma_semaphore, #tpu.memory_space<semaphore_mem>>, %arg15: memref<!tpu.dma_semaphore, #tpu.memory_space<semaphore_mem>>, %arg16: memref<!tpu.dma_semaphore, #tpu.memory_space<semaphore_mem>>) attributes {dimension_semantics = [#tpu.dimension_semantics<core_parallel>, #tpu.dimension_semantics<subcore_parallel>], iteration_bounds = array<i64: 2, 16>, scalar_prefetch = 0 : i64, scratch_operands = 10 : i64, tpu.core_type = #tpu.core_type<sc_vector_subcore>, window_params = [{transform_indices = #map}, {transform_indices = #map1}, {transform_indices = #map}, {transform_indices = #map}, {transform_indices = #map1}]} {
    %mul3A = arith.constant 2 : i32
    %mul3A_0 = arith.muli %arg1, %mul3A : i32
    %add3A = arith.addi %mul3A_0, %arg0 : i32
    %mul3A_1 = arith.constant 640 : i32
    %mul3A_2 = arith.muli %arg1, %mul3A_1 : i32
    %mul3A_3 = arith.constant 640 : i32
    %mul3A_4 = arith.muli %arg1, %mul3A_3 : i32
    "tpu.region"() ({
      %run_scoped3A = tpu.sem_alloc : memref<!tpu.dma_semaphore, #tpu.memory_space<semaphore_mem>>
      %dma_start3A_64 = arith.constant 0 : i32
      %dma_start3A_65 = tpu.memref_slice %arg12[%mul3A_4, %dma_start3A_64] : memref<10240x128xf32, #tpu.memory_space<vmem_shared>> -> memref<640x128xf32, #tpu.memory_space<vmem_shared>>
      %dma_start3A_66 = arith.constant 0 : i32
      %dma_start3A_67 = tpu.memref_slice %arg5[%mul3A_2, %dma_start3A_66] : memref<10240x128xf32, #tpu.memory_space<hbm>> -> memref<640x128xf32, #tpu.memory_space<hbm>>
      tpu.enqueue_dma source(%dma_start3A_67 : memref<640x128xf32, #tpu.memory_space<hbm>>) target(%dma_start3A_65 : memref<640x128xf32, #tpu.memory_space<vmem_shared>>) target_semaphore(%run_scoped3A : memref<!tpu.dma_semaphore, #tpu.memory_space<semaphore_mem>>)
      %dma_wait3A_68 = arith.constant 0 : i32
      %dma_wait3A_69 = tpu.memref_slice %arg12[%mul3A_4, %dma_wait3A_68] : memref<10240x128xf32, #tpu.memory_space<vmem_shared>> -> memref<640x128xf32, #tpu.memory_space<vmem_shared>>
      %dma_wait3A_70 = arith.constant 0 : i32
      %dma_wait3A_71 = tpu.memref_slice %arg5[%mul3A_2, %dma_wait3A_70] : memref<10240x128xf32, #tpu.memory_space<hbm>> -> memref<640x128xf32, #tpu.memory_space<hbm>>
      tpu.wait_dma2 semaphore(%run_scoped3A : memref<!tpu.dma_semaphore, #tpu.memory_space<semaphore_mem>>) src(%dma_wait3A_71 : memref<640x128xf32, #tpu.memory_space<hbm>>) dst(%dma_wait3A_69 : memref<640x128xf32, #tpu.memory_space<vmem_shared>>)
      tpu.yield
    }) : () -> ()
    "tpu.region"() ({
      %run_scoped3A = tpu.sem_alloc : memref<!tpu.dma_semaphore, #tpu.memory_space<semaphore_mem>>
      %dma_start3A_64 = arith.constant 0 : i32
      %dma_start3A_65 = arith.constant 0 : i32
      %dma_start3A_66 = tpu.memref_slice %arg3[%add3A, %dma_start3A_64, %dma_start3A_65] : memref<32x80x128xi32, #tpu.memory_space<hbm>> -> memref<1x80x128xi32, #tpu.memory_space<hbm>>
      %dma_start3A_67 = tpu.memref_squeeze %dma_start3A_66 : memref<1x80x128xi32, #tpu.memory_space<hbm>> -> memref<80x128xi32, #tpu.memory_space<hbm>>
      %dma_start3A_68 = arith.constant 0 : i32
      %dma_start3A_69 = arith.constant 0 : i32
      %dma_start3A_70 = tpu.memref_slice %arg3[%add3A, %dma_start3A_68, %dma_start3A_69] : memref<32x80x128xi32, #tpu.memory_space<hbm>> -> memref<1x80x128xi32, #tpu.memory_space<hbm>>
      %dma_start3A_71 = tpu.memref_squeeze %dma_start3A_70 : memref<1x80x128xi32, #tpu.memory_space<hbm>> -> memref<80x128xi32, #tpu.memory_space<hbm>>
      tpu.enqueue_dma source(%dma_start3A_71 : memref<80x128xi32, #tpu.memory_space<hbm>>) target(%arg7 : memref<80x128xi32, #tpu.memory_space<vmem>>) target_semaphore(%run_scoped3A : memref<!tpu.dma_semaphore, #tpu.memory_space<semaphore_mem>>)
      %dma_wait3A_72 = arith.constant 0 : i32
      %dma_wait3A_73 = arith.constant 0 : i32
      %dma_wait3A_74 = tpu.memref_slice %arg3[%add3A, %dma_wait3A_72, %dma_wait3A_73] : memref<32x80x128xi32, #tpu.memory_space<hbm>> -> memref<1x80x128xi32, #tpu.memory_space<hbm>>
      %dma_wait3A_75 = tpu.memref_squeeze %dma_wait3A_74 : memref<1x80x128xi32, #tpu.memory_space<hbm>> -> memref<80x128xi32, #tpu.memory_space<hbm>>
      %dma_wait3A_76 = arith.constant 0 : i32
      %dma_wait3A_77 = arith.constant 0 : i32
      %dma_wait3A_78 = tpu.memref_slice %arg3[%add3A, %dma_wait3A_76, %dma_wait3A_77] : memref<32x80x128xi32, #tpu.memory_space<hbm>> -> memref<1x80x128xi32, #tpu.memory_space<hbm>>
      %dma_wait3A_79 = tpu.memref_squeeze %dma_wait3A_78 : memref<1x80x128xi32, #tpu.memory_space<hbm>> -> memref<80x128xi32, #tpu.memory_space<hbm>>
      tpu.wait_dma2 semaphore(%run_scoped3A : memref<!tpu.dma_semaphore, #tpu.memory_space<semaphore_mem>>) src(%dma_wait3A_79 : memref<80x128xi32, #tpu.memory_space<hbm>>) dst(%arg7 : memref<80x128xi32, #tpu.memory_space<vmem>>)
      tpu.yield
    }) : () -> ()
    %barrier3A = arith.constant 0 : index
    tpu.barrier barrier_id(%barrier3A)
    %dma_start3A = arith.constant 0 : i32
    %dma_start3A_5 = arith.constant 0 : i32
    %dma_start3A_6 = tpu.memref_slice %arg7[%dma_start3A, %dma_start3A_5] : memref<80x128xi32, #tpu.memory_space<vmem>> -> memref<1x128xi32, #tpu.memory_space<vmem>>
    %dma_start3A_7 = tpu.memref_squeeze %dma_start3A_6 : memref<1x128xi32, #tpu.memory_space<vmem>> -> memref<128xi32, #tpu.memory_space<vmem>>
    %dma_start3A_8 = arith.constant 0 : i32
    %dma_start3A_9 = arith.constant 0 : i32
    %dma_start3A_10 = tpu.memref_slice %arg2[%dma_start3A_8, %dma_start3A_9] : memref<10000x128xf32, #tpu.memory_space<hbm>> -> memref<10000x128xf32, #tpu.memory_space<hbm>>
    tpu.enqueue_indirect_dma source(%dma_start3A_10 : memref<10000x128xf32, #tpu.memory_space<hbm>>) target(%arg10 : memref<128x128xf32, #tpu.memory_space<vmem>>) offsets(%dma_start3A_7 : memref<128xi32, #tpu.memory_space<vmem>>) semaphore(%arg13 : memref<!tpu.dma_semaphore, #tpu.memory_space<semaphore_mem>>)
    %dma_start3A_11 = arith.constant 0 : i32
    %dma_start3A_12 = tpu.memref_slice %arg4[%add3A, %dma_start3A_11] : memref<32x10240xi32, #tpu.memory_space<hbm>> -> memref<1x128xi32, #tpu.memory_space<hbm>>
    %dma_start3A_13 = tpu.memref_squeeze %dma_start3A_12 : memref<1x128xi32, #tpu.memory_space<hbm>> -> memref<128xi32, #tpu.memory_space<hbm>>
    %dma_start3A_14 = arith.constant 0 : i32
    %dma_start3A_15 = tpu.memref_slice %arg4[%add3A, %dma_start3A_14] : memref<32x10240xi32, #tpu.memory_space<hbm>> -> memref<1x128xi32, #tpu.memory_space<hbm>>
    %dma_start3A_16 = tpu.memref_squeeze %dma_start3A_15 : memref<1x128xi32, #tpu.memory_space<hbm>> -> memref<128xi32, #tpu.memory_space<hbm>>
    tpu.enqueue_dma source(%dma_start3A_16 : memref<128xi32, #tpu.memory_space<hbm>>) target(%arg8 : memref<128xi32, #tpu.memory_space<vmem>>) target_semaphore(%arg15 : memref<!tpu.dma_semaphore, #tpu.memory_space<semaphore_mem>>)
    %dma_start3A_17 = arith.constant 1 : i32
    %dma_start3A_18 = arith.constant 0 : i32
    %dma_start3A_19 = tpu.memref_slice %arg7[%dma_start3A_17, %dma_start3A_18] : memref<80x128xi32, #tpu.memory_space<vmem>> -> memref<1x128xi32, #tpu.memory_space<vmem>>
    %dma_start3A_20 = tpu.memref_squeeze %dma_start3A_19 : memref<1x128xi32, #tpu.memory_space<vmem>> -> memref<128xi32, #tpu.memory_space<vmem>>
    %dma_start3A_21 = arith.constant 0 : i32
    %dma_start3A_22 = arith.constant 0 : i32
    %dma_start3A_23 = tpu.memref_slice %arg2[%dma_start3A_21, %dma_start3A_22] : memref<10000x128xf32, #tpu.memory_space<hbm>> -> memref<10000x128xf32, #tpu.memory_space<hbm>>
    tpu.enqueue_indirect_dma source(%dma_start3A_23 : memref<10000x128xf32, #tpu.memory_space<hbm>>) target(%arg11 : memref<128x128xf32, #tpu.memory_space<vmem>>) offsets(%dma_start3A_20 : memref<128xi32, #tpu.memory_space<vmem>>) semaphore(%arg14 : memref<!tpu.dma_semaphore, #tpu.memory_space<semaphore_mem>>)
    %dma_start3A_24 = arith.constant 128 : i32
    %dma_start3A_25 = tpu.memref_slice %arg4[%add3A, %dma_start3A_24] : memref<32x10240xi32, #tpu.memory_space<hbm>> -> memref<1x128xi32, #tpu.memory_space<hbm>>
    %dma_start3A_26 = tpu.memref_squeeze %dma_start3A_25 : memref<1x128xi32, #tpu.memory_space<hbm>> -> memref<128xi32, #tpu.memory_space<hbm>>
    %dma_start3A_27 = arith.constant 128 : i32
    %dma_start3A_28 = tpu.memref_slice %arg4[%add3A, %dma_start3A_27] : memref<32x10240xi32, #tpu.memory_space<hbm>> -> memref<1x128xi32, #tpu.memory_space<hbm>>
    %dma_start3A_29 = tpu.memref_squeeze %dma_start3A_28 : memref<1x128xi32, #tpu.memory_space<hbm>> -> memref<128xi32, #tpu.memory_space<hbm>>
    tpu.enqueue_dma source(%dma_start3A_29 : memref<128xi32, #tpu.memory_space<hbm>>) target(%arg9 : memref<128xi32, #tpu.memory_space<vmem>>) target_semaphore(%arg16 : memref<!tpu.dma_semaphore, #tpu.memory_space<semaphore_mem>>)
    %scan3A = arith.constant 0 : i32
    %scan3A_30 = arith.constant 39 : i32
    %scan3A_31 = arith.addi %scan3A, %scan3A_30 : i32
    %scan3A_32 = arith.constant 1 : i32
    scf.for %scan3A_64 = %scan3A to %scan3A_31 step %scan3A_32  : i32 {
      %mul3A_65 = arith.constant 2 : i32
      %mul3A_66 = arith.muli %scan3A_64, %mul3A_65 : i32
      %add3A_67 = arith.constant 0 : i32
      %add3A_68 = arith.addi %add3A_67, %mul3A_66 : i32
      %dma_wait3A_69 = arith.constant 0 : i32
      %dma_wait3A_70 = tpu.memref_slice %arg7[%add3A_68, %dma_wait3A_69] : memref<80x128xi32, #tpu.memory_space<vmem>> -> memref<1x128xi32, #tpu.memory_space<vmem>>
      %dma_wait3A_71 = tpu.memref_squeeze %dma_wait3A_70 : memref<1x128xi32, #tpu.memory_space<vmem>> -> memref<128xi32, #tpu.memory_space<vmem>>
      %dma_wait3A_72 = arith.constant 0 : i32
      %dma_wait3A_73 = arith.constant 0 : i32
      %dma_wait3A_74 = tpu.memref_slice %arg2[%dma_wait3A_72, %dma_wait3A_73] : memref<10000x128xf32, #tpu.memory_space<hbm>> -> memref<10000x128xf32, #tpu.memory_space<hbm>>
      tpu.wait_indirect_dma semaphore(%arg13 : memref<!tpu.dma_semaphore, #tpu.memory_space<semaphore_mem>>) src(%dma_wait3A_74 : memref<10000x128xf32, #tpu.memory_space<hbm>>) dst(%arg10 : memref<128x128xf32, #tpu.memory_space<vmem>>)
      %mul3A_75 = arith.constant 128 : i32
      %mul3A_76 = arith.muli %add3A_68, %mul3A_75 : i32
      %dma_wait3A_77 = tpu.memref_slice %arg4[%add3A, %mul3A_76] : memref<32x10240xi32, #tpu.memory_space<hbm>> -> memref<1x128xi32, #tpu.memory_space<hbm>>
      %dma_wait3A_78 = tpu.memref_squeeze %dma_wait3A_77 : memref<1x128xi32, #tpu.memory_space<hbm>> -> memref<128xi32, #tpu.memory_space<hbm>>
      %dma_wait3A_79 = tpu.memref_slice %arg4[%add3A, %mul3A_76] : memref<32x10240xi32, #tpu.memory_space<hbm>> -> memref<1x128xi32, #tpu.memory_space<hbm>>
      %dma_wait3A_80 = tpu.memref_squeeze %dma_wait3A_79 : memref<1x128xi32, #tpu.memory_space<hbm>> -> memref<128xi32, #tpu.memory_space<hbm>>
      tpu.wait_dma2 semaphore(%arg15 : memref<!tpu.dma_semaphore, #tpu.memory_space<semaphore_mem>>) src(%dma_wait3A_80 : memref<128xi32, #tpu.memory_space<hbm>>) dst(%arg8 : memref<128xi32, #tpu.memory_space<vmem>>)
      "tpu.region"() ({
        %run_scoped3A = tpu.sem_alloc : memref<!tpu.dma_semaphore, #tpu.memory_space<semaphore_mem>>
        %dma_start3A_129 = arith.constant 0 : i32
        %dma_start3A_130 = arith.constant 0 : i32
        %dma_start3A_131 = tpu.memref_slice %arg12[%dma_start3A_129, %dma_start3A_130] : memref<10240x128xf32, #tpu.memory_space<vmem_shared>> -> memref<10240x128xf32, #tpu.memory_space<vmem_shared>>
        tpu.enqueue_indirect_dma source(%arg10 : memref<128x128xf32, #tpu.memory_space<vmem>>) target(%dma_start3A_131 : memref<10240x128xf32, #tpu.memory_space<vmem_shared>>) offsets(%arg8 : memref<128xi32, #tpu.memory_space<vmem>>) semaphore(%run_scoped3A : memref<!tpu.dma_semaphore, #tpu.memory_space<semaphore_mem>>) {add = true}
        %dma_wait3A_132 = arith.constant 0 : i32
        %dma_wait3A_133 = arith.constant 0 : i32
        %dma_wait3A_134 = tpu.memref_slice %arg12[%dma_wait3A_132, %dma_wait3A_133] : memref<10240x128xf32, #tpu.memory_space<vmem_shared>> -> memref<10240x128xf32, #tpu.memory_space<vmem_shared>>
        tpu.wait_indirect_dma semaphore(%run_scoped3A : memref<!tpu.dma_semaphore, #tpu.memory_space<semaphore_mem>>) src(%arg10 : memref<128x128xf32, #tpu.memory_space<vmem>>) dst(%dma_wait3A_134 : memref<10240x128xf32, #tpu.memory_space<vmem_shared>>)
        tpu.yield
      }) : () -> ()
      %add3A_81 = arith.constant 2 : i32
      %add3A_82 = arith.addi %add3A_68, %add3A_81 : i32
      %dma_start3A_83 = arith.constant 0 : i32
      %dma_start3A_84 = tpu.memref_slice %arg7[%add3A_82, %dma_start3A_83] : memref<80x128xi32, #tpu.memory_space<vmem>> -> memref<1x128xi32, #tpu.memory_space<vmem>>
      %dma_start3A_85 = tpu.memref_squeeze %dma_start3A_84 : memref<1x128xi32, #tpu.memory_space<vmem>> -> memref<128xi32, #tpu.memory_space<vmem>>
      %dma_start3A_86 = arith.constant 0 : i32
      %dma_start3A_87 = arith.constant 0 : i32
      %dma_start3A_88 = tpu.memref_slice %arg2[%dma_start3A_86, %dma_start3A_87] : memref<10000x128xf32, #tpu.memory_space<hbm>> -> memref<10000x128xf32, #tpu.memory_space<hbm>>
      tpu.enqueue_indirect_dma source(%dma_start3A_88 : memref<10000x128xf32, #tpu.memory_space<hbm>>) target(%arg10 : memref<128x128xf32, #tpu.memory_space<vmem>>) offsets(%dma_start3A_85 : memref<128xi32, #tpu.memory_space<vmem>>) semaphore(%arg13 : memref<!tpu.dma_semaphore, #tpu.memory_space<semaphore_mem>>)
      %add3A_89 = arith.constant 2 : i32
      %add3A_90 = arith.addi %add3A_68, %add3A_89 : i32
      %mul3A_91 = arith.constant 128 : i32
      %mul3A_92 = arith.muli %add3A_90, %mul3A_91 : i32
      %dma_start3A_93 = tpu.memref_slice %arg4[%add3A, %mul3A_92] : memref<32x10240xi32, #tpu.memory_space<hbm>> -> memref<1x128xi32, #tpu.memory_space<hbm>>
      %dma_start3A_94 = tpu.memref_squeeze %dma_start3A_93 : memref<1x128xi32, #tpu.memory_space<hbm>> -> memref<128xi32, #tpu.memory_space<hbm>>
      %dma_start3A_95 = tpu.memref_slice %arg4[%add3A, %mul3A_92] : memref<32x10240xi32, #tpu.memory_space<hbm>> -> memref<1x128xi32, #tpu.memory_space<hbm>>
      %dma_start3A_96 = tpu.memref_squeeze %dma_start3A_95 : memref<1x128xi32, #tpu.memory_space<hbm>> -> memref<128xi32, #tpu.memory_space<hbm>>
      tpu.enqueue_dma source(%dma_start3A_96 : memref<128xi32, #tpu.memory_space<hbm>>) target(%arg8 : memref<128xi32, #tpu.memory_space<vmem>>) target_semaphore(%arg15 : memref<!tpu.dma_semaphore, #tpu.memory_space<semaphore_mem>>)
      %add3A_97 = arith.constant 1 : i32
      %add3A_98 = arith.addi %add3A_68, %add3A_97 : i32
      %dma_wait3A_99 = arith.constant 0 : i32
      %dma_wait3A_100 = tpu.memref_slice %arg7[%add3A_98, %dma_wait3A_99] : memref<80x128xi32, #tpu.memory_space<vmem>> -> memref<1x128xi32, #tpu.memory_space<vmem>>
      %dma_wait3A_101 = tpu.memref_squeeze %dma_wait3A_100 : memref<1x128xi32, #tpu.memory_space<vmem>> -> memref<128xi32, #tpu.memory_space<vmem>>
      %dma_wait3A_102 = arith.constant 0 : i32
      %dma_wait3A_103 = arith.constant 0 : i32
      %dma_wait3A_104 = tpu.memref_slice %arg2[%dma_wait3A_102, %dma_wait3A_103] : memref<10000x128xf32, #tpu.memory_space<hbm>> -> memref<10000x128xf32, #tpu.memory_space<hbm>>
      tpu.wait_indirect_dma semaphore(%arg14 : memref<!tpu.dma_semaphore, #tpu.memory_space<semaphore_mem>>) src(%dma_wait3A_104 : memref<10000x128xf32, #tpu.memory_space<hbm>>) dst(%arg11 : memref<128x128xf32, #tpu.memory_space<vmem>>)
      %add3A_105 = arith.constant 1 : i32
      %add3A_106 = arith.addi %add3A_68, %add3A_105 : i32
      %mul3A_107 = arith.constant 128 : i32
      %mul3A_108 = arith.muli %add3A_106, %mul3A_107 : i32
      %dma_wait3A_109 = tpu.memref_slice %arg4[%add3A, %mul3A_108] : memref<32x10240xi32, #tpu.memory_space<hbm>> -> memref<1x128xi32, #tpu.memory_space<hbm>>
      %dma_wait3A_110 = tpu.memref_squeeze %dma_wait3A_109 : memref<1x128xi32, #tpu.memory_space<hbm>> -> memref<128xi32, #tpu.memory_space<hbm>>
      %dma_wait3A_111 = tpu.memref_slice %arg4[%add3A, %mul3A_108] : memref<32x10240xi32, #tpu.memory_space<hbm>> -> memref<1x128xi32, #tpu.memory_space<hbm>>
      %dma_wait3A_112 = tpu.memref_squeeze %dma_wait3A_111 : memref<1x128xi32, #tpu.memory_space<hbm>> -> memref<128xi32, #tpu.memory_space<hbm>>
      tpu.wait_dma2 semaphore(%arg16 : memref<!tpu.dma_semaphore, #tpu.memory_space<semaphore_mem>>) src(%dma_wait3A_112 : memref<128xi32, #tpu.memory_space<hbm>>) dst(%arg9 : memref<128xi32, #tpu.memory_space<vmem>>)
      "tpu.region"() ({
        %run_scoped3A = tpu.sem_alloc : memref<!tpu.dma_semaphore, #tpu.memory_space<semaphore_mem>>
        %dma_start3A_129 = arith.constant 0 : i32
        %dma_start3A_130 = arith.constant 0 : i32
        %dma_start3A_131 = tpu.memref_slice %arg12[%dma_start3A_129, %dma_start3A_130] : memref<10240x128xf32, #tpu.memory_space<vmem_shared>> -> memref<10240x128xf32, #tpu.memory_space<vmem_shared>>
        tpu.enqueue_indirect_dma source(%arg11 : memref<128x128xf32, #tpu.memory_space<vmem>>) target(%dma_start3A_131 : memref<10240x128xf32, #tpu.memory_space<vmem_shared>>) offsets(%arg9 : memref<128xi32, #tpu.memory_space<vmem>>) semaphore(%run_scoped3A : memref<!tpu.dma_semaphore, #tpu.memory_space<semaphore_mem>>) {add = true}
        %dma_wait3A_132 = arith.constant 0 : i32
        %dma_wait3A_133 = arith.constant 0 : i32
        %dma_wait3A_134 = tpu.memref_slice %arg12[%dma_wait3A_132, %dma_wait3A_133] : memref<10240x128xf32, #tpu.memory_space<vmem_shared>> -> memref<10240x128xf32, #tpu.memory_space<vmem_shared>>
        tpu.wait_indirect_dma semaphore(%run_scoped3A : memref<!tpu.dma_semaphore, #tpu.memory_space<semaphore_mem>>) src(%arg11 : memref<128x128xf32, #tpu.memory_space<vmem>>) dst(%dma_wait3A_134 : memref<10240x128xf32, #tpu.memory_space<vmem_shared>>)
        tpu.yield
      }) : () -> ()
      %add3A_113 = arith.constant 3 : i32
      %add3A_114 = arith.addi %add3A_68, %add3A_113 : i32
      %dma_start3A_115 = arith.constant 0 : i32
      %dma_start3A_116 = tpu.memref_slice %arg7[%add3A_114, %dma_start3A_115] : memref<80x128xi32, #tpu.memory_space<vmem>> -> memref<1x128xi32, #tpu.memory_space<vmem>>
      %dma_start3A_117 = tpu.memref_squeeze %dma_start3A_116 : memref<1x128xi32, #tpu.memory_space<vmem>> -> memref<128xi32, #tpu.memory_space<vmem>>
      %dma_start3A_118 = arith.constant 0 : i32
      %dma_start3A_119 = arith.constant 0 : i32
      %dma_start3A_120 = tpu.memref_slice %arg2[%dma_start3A_118, %dma_start3A_119] : memref<10000x128xf32, #tpu.memory_space<hbm>> -> memref<10000x128xf32, #tpu.memory_space<hbm>>
      tpu.enqueue_indirect_dma source(%dma_start3A_120 : memref<10000x128xf32, #tpu.memory_space<hbm>>) target(%arg11 : memref<128x128xf32, #tpu.memory_space<vmem>>) offsets(%dma_start3A_117 : memref<128xi32, #tpu.memory_space<vmem>>) semaphore(%arg14 : memref<!tpu.dma_semaphore, #tpu.memory_space<semaphore_mem>>)
      %add3A_121 = arith.constant 3 : i32
      %add3A_122 = arith.addi %add3A_68, %add3A_121 : i32
      %mul3A_123 = arith.constant 128 : i32
      %mul3A_124 = arith.muli %add3A_122, %mul3A_123 : i32
      %dma_start3A_125 = tpu.memref_slice %arg4[%add3A, %mul3A_124] : memref<32x10240xi32, #tpu.memory_space<hbm>> -> memref<1x128xi32, #tpu.memory_space<hbm>>
      %dma_start3A_126 = tpu.memref_squeeze %dma_start3A_125 : memref<1x128xi32, #tpu.memory_space<hbm>> -> memref<128xi32, #tpu.memory_space<hbm>>
      %dma_start3A_127 = tpu.memref_slice %arg4[%add3A, %mul3A_124] : memref<32x10240xi32, #tpu.memory_space<hbm>> -> memref<1x128xi32, #tpu.memory_space<hbm>>
      %dma_start3A_128 = tpu.memref_squeeze %dma_start3A_127 : memref<1x128xi32, #tpu.memory_space<hbm>> -> memref<128xi32, #tpu.memory_space<hbm>>
      tpu.enqueue_dma source(%dma_start3A_128 : memref<128xi32, #tpu.memory_space<hbm>>) target(%arg9 : memref<128xi32, #tpu.memory_space<vmem>>) target_semaphore(%arg16 : memref<!tpu.dma_semaphore, #tpu.memory_space<semaphore_mem>>)
    }
    %scan3A_33 = arith.constant 39 : i32
    %dma_wait3A = arith.constant 78 : i32
    %dma_wait3A_34 = arith.constant 0 : i32
    %dma_wait3A_35 = tpu.memref_slice %arg7[%dma_wait3A, %dma_wait3A_34] : memref<80x128xi32, #tpu.memory_space<vmem>> -> memref<1x128xi32, #tpu.memory_space<vmem>>
    %dma_wait3A_36 = tpu.memref_squeeze %dma_wait3A_35 : memref<1x128xi32, #tpu.memory_space<vmem>> -> memref<128xi32, #tpu.memory_space<vmem>>
    %dma_wait3A_37 = arith.constant 0 : i32
    %dma_wait3A_38 = arith.constant 0 : i32
    %dma_wait3A_39 = tpu.memref_slice %arg2[%dma_wait3A_37, %dma_wait3A_38] : memref<10000x128xf32, #tpu.memory_space<hbm>> -> memref<10000x128xf32, #tpu.memory_space<hbm>>
    tpu.wait_indirect_dma semaphore(%arg13 : memref<!tpu.dma_semaphore, #tpu.memory_space<semaphore_mem>>) src(%dma_wait3A_39 : memref<10000x128xf32, #tpu.memory_space<hbm>>) dst(%arg10 : memref<128x128xf32, #tpu.memory_space<vmem>>)
    %dma_wait3A_40 = arith.constant 9984 : i32
    %dma_wait3A_41 = tpu.memref_slice %arg4[%add3A, %dma_wait3A_40] : memref<32x10240xi32, #tpu.memory_space<hbm>> -> memref<1x128xi32, #tpu.memory_space<hbm>>
    %dma_wait3A_42 = tpu.memref_squeeze %dma_wait3A_41 : memref<1x128xi32, #tpu.memory_space<hbm>> -> memref<128xi32, #tpu.memory_space<hbm>>
    %dma_wait3A_43 = arith.constant 9984 : i32
    %dma_wait3A_44 = tpu.memref_slice %arg4[%add3A, %dma_wait3A_43] : memref<32x10240xi32, #tpu.memory_space<hbm>> -> memref<1x128xi32, #tpu.memory_space<hbm>>
    %dma_wait3A_45 = tpu.memref_squeeze %dma_wait3A_44 : memref<1x128xi32, #tpu.memory_space<hbm>> -> memref<128xi32, #tpu.memory_space<hbm>>
    tpu.wait_dma2 semaphore(%arg15 : memref<!tpu.dma_semaphore, #tpu.memory_space<semaphore_mem>>) src(%dma_wait3A_45 : memref<128xi32, #tpu.memory_space<hbm>>) dst(%arg8 : memref<128xi32, #tpu.memory_space<vmem>>)
    "tpu.region"() ({
      %run_scoped3A = tpu.sem_alloc : memref<!tpu.dma_semaphore, #tpu.memory_space<semaphore_mem>>
      %dma_start3A_64 = arith.constant 0 : i32
      %dma_start3A_65 = arith.constant 0 : i32
      %dma_start3A_66 = tpu.memref_slice %arg12[%dma_start3A_64, %dma_start3A_65] : memref<10240x128xf32, #tpu.memory_space<vmem_shared>> -> memref<10240x128xf32, #tpu.memory_space<vmem_shared>>
      tpu.enqueue_indirect_dma source(%arg10 : memref<128x128xf32, #tpu.memory_space<vmem>>) target(%dma_start3A_66 : memref<10240x128xf32, #tpu.memory_space<vmem_shared>>) offsets(%arg8 : memref<128xi32, #tpu.memory_space<vmem>>) semaphore(%run_scoped3A : memref<!tpu.dma_semaphore, #tpu.memory_space<semaphore_mem>>) {add = true}
      %dma_wait3A_67 = arith.constant 0 : i32
      %dma_wait3A_68 = arith.constant 0 : i32
      %dma_wait3A_69 = tpu.memref_slice %arg12[%dma_wait3A_67, %dma_wait3A_68] : memref<10240x128xf32, #tpu.memory_space<vmem_shared>> -> memref<10240x128xf32, #tpu.memory_space<vmem_shared>>
      tpu.wait_indirect_dma semaphore(%run_scoped3A : memref<!tpu.dma_semaphore, #tpu.memory_space<semaphore_mem>>) src(%arg10 : memref<128x128xf32, #tpu.memory_space<vmem>>) dst(%dma_wait3A_69 : memref<10240x128xf32, #tpu.memory_space<vmem_shared>>)
      tpu.yield
    }) : () -> ()
    %dma_wait3A_46 = arith.constant 79 : i32
    %dma_wait3A_47 = arith.constant 0 : i32
    %dma_wait3A_48 = tpu.memref_slice %arg7[%dma_wait3A_46, %dma_wait3A_47] : memref<80x128xi32, #tpu.memory_space<vmem>> -> memref<1x128xi32, #tpu.memory_space<vmem>>
    %dma_wait3A_49 = tpu.memref_squeeze %dma_wait3A_48 : memref<1x128xi32, #tpu.memory_space<vmem>> -> memref<128xi32, #tpu.memory_space<vmem>>
    %dma_wait3A_50 = arith.constant 0 : i32
    %dma_wait3A_51 = arith.constant 0 : i32
    %dma_wait3A_52 = tpu.memref_slice %arg2[%dma_wait3A_50, %dma_wait3A_51] : memref<10000x128xf32, #tpu.memory_space<hbm>> -> memref<10000x128xf32, #tpu.memory_space<hbm>>
    tpu.wait_indirect_dma semaphore(%arg14 : memref<!tpu.dma_semaphore, #tpu.memory_space<semaphore_mem>>) src(%dma_wait3A_52 : memref<10000x128xf32, #tpu.memory_space<hbm>>) dst(%arg11 : memref<128x128xf32, #tpu.memory_space<vmem>>)
    %dma_wait3A_53 = arith.constant 10112 : i32
    %dma_wait3A_54 = tpu.memref_slice %arg4[%add3A, %dma_wait3A_53] : memref<32x10240xi32, #tpu.memory_space<hbm>> -> memref<1x128xi32, #tpu.memory_space<hbm>>
    %dma_wait3A_55 = tpu.memref_squeeze %dma_wait3A_54 : memref<1x128xi32, #tpu.memory_space<hbm>> -> memref<128xi32, #tpu.memory_space<hbm>>
    %dma_wait3A_56 = arith.constant 10112 : i32
    %dma_wait3A_57 = tpu.memref_slice %arg4[%add3A, %dma_wait3A_56] : memref<32x10240xi32, #tpu.memory_space<hbm>> -> memref<1x128xi32, #tpu.memory_space<hbm>>
    %dma_wait3A_58 = tpu.memref_squeeze %dma_wait3A_57 : memref<1x128xi32, #tpu.memory_space<hbm>> -> memref<128xi32, #tpu.memory_space<hbm>>
    tpu.wait_dma2 semaphore(%arg16 : memref<!tpu.dma_semaphore, #tpu.memory_space<semaphore_mem>>) src(%dma_wait3A_58 : memref<128xi32, #tpu.memory_space<hbm>>) dst(%arg9 : memref<128xi32, #tpu.memory_space<vmem>>)
    "tpu.region"() ({
      %run_scoped3A = tpu.sem_alloc : memref<!tpu.dma_semaphore, #tpu.memory_space<semaphore_mem>>
      %dma_start3A_64 = arith.constant 0 : i32
      %dma_start3A_65 = arith.constant 0 : i32
      %dma_start3A_66 = tpu.memref_slice %arg12[%dma_start3A_64, %dma_start3A_65] : memref<10240x128xf32, #tpu.memory_space<vmem_shared>> -> memref<10240x128xf32, #tpu.memory_space<vmem_shared>>
      tpu.enqueue_indirect_dma source(%arg11 : memref<128x128xf32, #tpu.memory_space<vmem>>) target(%dma_start3A_66 : memref<10240x128xf32, #tpu.memory_space<vmem_shared>>) offsets(%arg9 : memref<128xi32, #tpu.memory_space<vmem>>) semaphore(%run_scoped3A : memref<!tpu.dma_semaphore, #tpu.memory_space<semaphore_mem>>) {add = true}
      %dma_wait3A_67 = arith.constant 0 : i32
      %dma_wait3A_68 = arith.constant 0 : i32
      %dma_wait3A_69 = tpu.memref_slice %arg12[%dma_wait3A_67, %dma_wait3A_68] : memref<10240x128xf32, #tpu.memory_space<vmem_shared>> -> memref<10240x128xf32, #tpu.memory_space<vmem_shared>>
      tpu.wait_indirect_dma semaphore(%run_scoped3A : memref<!tpu.dma_semaphore, #tpu.memory_space<semaphore_mem>>) src(%arg11 : memref<128x128xf32, #tpu.memory_space<vmem>>) dst(%dma_wait3A_69 : memref<10240x128xf32, #tpu.memory_space<vmem_shared>>)
      tpu.yield
    }) : () -> ()
    %barrier3A_59 = arith.constant 0 : index
    tpu.barrier barrier_id(%barrier3A_59)
    %mul3A_60 = arith.constant 640 : i32
    %mul3A_61 = arith.muli %arg1, %mul3A_60 : i32
    %mul3A_62 = arith.constant 640 : i32
    %mul3A_63 = arith.muli %arg1, %mul3A_62 : i32
    "tpu.region"() ({
      %run_scoped3A = tpu.sem_alloc : memref<!tpu.dma_semaphore, #tpu.memory_space<semaphore_mem>>
      %dma_start3A_64 = arith.constant 0 : i32
      %dma_start3A_65 = tpu.memref_slice %arg6[%arg0, %mul3A_63, %dma_start3A_64] : memref<2x10240x128xf32, #tpu.memory_space<hbm>> -> memref<1x640x128xf32, #tpu.memory_space<hbm>>
      %dma_start3A_66 = tpu.memref_squeeze %dma_start3A_65 : memref<1x640x128xf32, #tpu.memory_space<hbm>> -> memref<640x128xf32, #tpu.memory_space<hbm>>
      %dma_start3A_67 = arith.constant 0 : i32
      %dma_start3A_68 = tpu.memref_slice %arg12[%mul3A_61, %dma_start3A_67] : memref<10240x128xf32, #tpu.memory_space<vmem_shared>> -> memref<640x128xf32, #tpu.memory_space<vmem_shared>>
      tpu.enqueue_dma source(%dma_start3A_68 : memref<640x128xf32, #tpu.memory_space<vmem_shared>>) target(%dma_start3A_66 : memref<640x128xf32, #tpu.memory_space<hbm>>) target_semaphore(%run_scoped3A : memref<!tpu.dma_semaphore, #tpu.memory_space<semaphore_mem>>)
      %dma_wait3A_69 = arith.constant 0 : i32
      %dma_wait3A_70 = tpu.memref_slice %arg6[%arg0, %mul3A_63, %dma_wait3A_69] : memref<2x10240x128xf32, #tpu.memory_space<hbm>> -> memref<1x640x128xf32, #tpu.memory_space<hbm>>
      %dma_wait3A_71 = tpu.memref_squeeze %dma_wait3A_70 : memref<1x640x128xf32, #tpu.memory_space<hbm>> -> memref<640x128xf32, #tpu.memory_space<hbm>>
      %dma_wait3A_72 = arith.constant 0 : i32
      %dma_wait3A_73 = tpu.memref_slice %arg12[%mul3A_61, %dma_wait3A_72] : memref<10240x128xf32, #tpu.memory_space<vmem_shared>> -> memref<640x128xf32, #tpu.memory_space<vmem_shared>>
      tpu.wait_dma2 semaphore(%run_scoped3A : memref<!tpu.dma_semaphore, #tpu.memory_space<semaphore_mem>>) src(%dma_wait3A_73 : memref<640x128xf32, #tpu.memory_space<vmem_shared>>) dst(%dma_wait3A_71 : memref<640x128xf32, #tpu.memory_space<hbm>>)
      tpu.yield
    }) : () -> ()
    return
  }
}

#map = affine_map<(d0, d1) -> (0, 0)>
#map1 = affine_map<(d0, d1) -> (0, 0, 0)>
module attributes {stable_mosaic.version = 14 : i64} {
  func.func @_agg(%arg0: i32, %arg1: i32, %arg2: memref<10000x128xf32, #tpu.memory_space<hbm>>, %arg3: memref<32x80x128xi32, #tpu.memory_space<hbm>>, %arg4: memref<32x10240xi32, #tpu.memory_space<hbm>>, %arg5: memref<10240x128xf32, #tpu.memory_space<hbm>>, %arg6: memref<2x10240x128xf32, #tpu.memory_space<hbm>>, %arg7: memref<80x128xi32, #tpu.memory_space<vmem>>, %arg8: memref<128xi32, #tpu.memory_space<vmem>>, %arg9: memref<128xi32, #tpu.memory_space<vmem>>, %arg10: memref<128x128xf32, #tpu.memory_space<vmem>>, %arg11: memref<128x128xf32, #tpu.memory_space<vmem>>, %arg12: memref<10240x128xf32, #tpu.memory_space<vmem_shared>>, %arg13: memref<!tpu.dma_semaphore, #tpu.memory_space<semaphore_mem>>, %arg14: memref<!tpu.dma_semaphore, #tpu.memory_space<semaphore_mem>>, %arg15: memref<!tpu.dma_semaphore, #tpu.memory_space<semaphore_mem>>, %arg16: memref<!tpu.dma_semaphore, #tpu.memory_space<semaphore_mem>>) attributes {dimension_semantics = [#tpu.dimension_semantics<core_parallel>, #tpu.dimension_semantics<subcore_parallel>], iteration_bounds = array<i64: 2, 16>, scalar_prefetch = 0 : i64, scratch_operands = 10 : i64, tpu.core_type = #tpu.core_type<sc_vector_subcore>, window_params = [{transform_indices = #map}, {transform_indices = #map1}, {transform_indices = #map}, {transform_indices = #map}, {transform_indices = #map1}]} {
    %mul3A = arith.constant 2 : i32
    %mul3A_0 = arith.muli %arg1, %mul3A : i32
    %add3A = arith.addi %mul3A_0, %arg0 : i32
    %mul3A_1 = arith.constant 640 : i32
    %mul3A_2 = arith.muli %arg1, %mul3A_1 : i32
    %mul3A_3 = arith.constant 640 : i32
    %mul3A_4 = arith.muli %arg1, %mul3A_3 : i32
    "tpu.region"() ({
      %run_scoped3A = tpu.sem_alloc : memref<!tpu.dma_semaphore, #tpu.memory_space<semaphore_mem>>
      %dma_start3A_64 = arith.constant 0 : i32
      %dma_start3A_65 = tpu.memref_slice %arg12[%mul3A_4, %dma_start3A_64] : memref<10240x128xf32, #tpu.memory_space<vmem_shared>> -> memref<640x128xf32, #tpu.memory_space<vmem_shared>>
      %dma_start3A_66 = arith.constant 0 : i32
      %dma_start3A_67 = tpu.memref_slice %arg5[%mul3A_2, %dma_start3A_66] : memref<10240x128xf32, #tpu.memory_space<hbm>> -> memref<640x128xf32, #tpu.memory_space<hbm>>
      tpu.enqueue_dma source(%dma_start3A_67 : memref<640x128xf32, #tpu.memory_space<hbm>>) target(%dma_start3A_65 : memref<640x128xf32, #tpu.memory_space<vmem_shared>>) target_semaphore(%run_scoped3A : memref<!tpu.dma_semaphore, #tpu.memory_space<semaphore_mem>>)
      %dma_wait3A_68 = arith.constant 0 : i32
      %dma_wait3A_69 = tpu.memref_slice %arg12[%mul3A_4, %dma_wait3A_68] : memref<10240x128xf32, #tpu.memory_space<vmem_shared>> -> memref<640x128xf32, #tpu.memory_space<vmem_shared>>
      %dma_wait3A_70 = arith.constant 0 : i32
      %dma_wait3A_71 = tpu.memref_slice %arg5[%mul3A_2, %dma_wait3A_70] : memref<10240x128xf32, #tpu.memory_space<hbm>> -> memref<640x128xf32, #tpu.memory_space<hbm>>
      tpu.wait_dma2 semaphore(%run_scoped3A : memref<!tpu.dma_semaphore, #tpu.memory_space<semaphore_mem>>) src(%dma_wait3A_71 : memref<640x128xf32, #tpu.memory_space<hbm>>) dst(%dma_wait3A_69 : memref<640x128xf32, #tpu.memory_space<vmem_shared>>)
      tpu.yield
    }) : () -> ()
    "tpu.region"() ({
      %run_scoped3A = tpu.sem_alloc : memref<!tpu.dma_semaphore, #tpu.memory_space<semaphore_mem>>
      %dma_start3A_64 = arith.constant 0 : i32
      %dma_start3A_65 = arith.constant 0 : i32
      %dma_start3A_66 = tpu.memref_slice %arg3[%add3A, %dma_start3A_64, %dma_start3A_65] : memref<32x80x128xi32, #tpu.memory_space<hbm>> -> memref<1x80x128xi32, #tpu.memory_space<hbm>>
      %dma_start3A_67 = tpu.memref_squeeze %dma_start3A_66 : memref<1x80x128xi32, #tpu.memory_space<hbm>> -> memref<80x128xi32, #tpu.memory_space<hbm>>
      %dma_start3A_68 = arith.constant 0 : i32
      %dma_start3A_69 = arith.constant 0 : i32
      %dma_start3A_70 = tpu.memref_slice %arg3[%add3A, %dma_start3A_68, %dma_start3A_69] : memref<32x80x128xi32, #tpu.memory_space<hbm>> -> memref<1x80x128xi32, #tpu.memory_space<hbm>>
      %dma_start3A_71 = tpu.memref_squeeze %dma_start3A_70 : memref<1x80x128xi32, #tpu.memory_space<hbm>> -> memref<80x128xi32, #tpu.memory_space<hbm>>
      tpu.enqueue_dma source(%dma_start3A_71 : memref<80x128xi32, #tpu.memory_space<hbm>>) target(%arg7 : memref<80x128xi32, #tpu.memory_space<vmem>>) target_semaphore(%run_scoped3A : memref<!tpu.dma_semaphore, #tpu.memory_space<semaphore_mem>>)
      %dma_wait3A_72 = arith.constant 0 : i32
      %dma_wait3A_73 = arith.constant 0 : i32
      %dma_wait3A_74 = tpu.memref_slice %arg3[%add3A, %dma_wait3A_72, %dma_wait3A_73] : memref<32x80x128xi32, #tpu.memory_space<hbm>> -> memref<1x80x128xi32, #tpu.memory_space<hbm>>
      %dma_wait3A_75 = tpu.memref_squeeze %dma_wait3A_74 : memref<1x80x128xi32, #tpu.memory_space<hbm>> -> memref<80x128xi32, #tpu.memory_space<hbm>>
      %dma_wait3A_76 = arith.constant 0 : i32
      %dma_wait3A_77 = arith.constant 0 : i32
      %dma_wait3A_78 = tpu.memref_slice %arg3[%add3A, %dma_wait3A_76, %dma_wait3A_77] : memref<32x80x128xi32, #tpu.memory_space<hbm>> -> memref<1x80x128xi32, #tpu.memory_space<hbm>>
      %dma_wait3A_79 = tpu.memref_squeeze %dma_wait3A_78 : memref<1x80x128xi32, #tpu.memory_space<hbm>> -> memref<80x128xi32, #tpu.memory_space<hbm>>
      tpu.wait_dma2 semaphore(%run_scoped3A : memref<!tpu.dma_semaphore, #tpu.memory_space<semaphore_mem>>) src(%dma_wait3A_79 : memref<80x128xi32, #tpu.memory_space<hbm>>) dst(%arg7 : memref<80x128xi32, #tpu.memory_space<vmem>>)
      tpu.yield
    }) : () -> ()
    %barrier3A = arith.constant 0 : index
    tpu.barrier barrier_id(%barrier3A)
    %dma_start3A = arith.constant 0 : i32
    %dma_start3A_5 = arith.constant 0 : i32
    %dma_start3A_6 = tpu.memref_slice %arg7[%dma_start3A, %dma_start3A_5] : memref<80x128xi32, #tpu.memory_space<vmem>> -> memref<1x128xi32, #tpu.memory_space<vmem>>
    %dma_start3A_7 = tpu.memref_squeeze %dma_start3A_6 : memref<1x128xi32, #tpu.memory_space<vmem>> -> memref<128xi32, #tpu.memory_space<vmem>>
    %dma_start3A_8 = arith.constant 0 : i32
    %dma_start3A_9 = arith.constant 0 : i32
    %dma_start3A_10 = tpu.memref_slice %arg2[%dma_start3A_8, %dma_start3A_9] : memref<10000x128xf32, #tpu.memory_space<hbm>> -> memref<10000x128xf32, #tpu.memory_space<hbm>>
    tpu.enqueue_indirect_dma source(%dma_start3A_10 : memref<10000x128xf32, #tpu.memory_space<hbm>>) target(%arg10 : memref<128x128xf32, #tpu.memory_space<vmem>>) offsets(%dma_start3A_7 : memref<128xi32, #tpu.memory_space<vmem>>) semaphore(%arg13 : memref<!tpu.dma_semaphore, #tpu.memory_space<semaphore_mem>>)
    %dma_start3A_11 = arith.constant 0 : i32
    %dma_start3A_12 = tpu.memref_slice %arg4[%add3A, %dma_start3A_11] : memref<32x10240xi32, #tpu.memory_space<hbm>> -> memref<1x128xi32, #tpu.memory_space<hbm>>
    %dma_start3A_13 = tpu.memref_squeeze %dma_start3A_12 : memref<1x128xi32, #tpu.memory_space<hbm>> -> memref<128xi32, #tpu.memory_space<hbm>>
    %dma_start3A_14 = arith.constant 0 : i32
    %dma_start3A_15 = tpu.memref_slice %arg4[%add3A, %dma_start3A_14] : memref<32x10240xi32, #tpu.memory_space<hbm>> -> memref<1x128xi32, #tpu.memory_space<hbm>>
    %dma_start3A_16 = tpu.memref_squeeze %dma_start3A_15 : memref<1x128xi32, #tpu.memory_space<hbm>> -> memref<128xi32, #tpu.memory_space<hbm>>
    tpu.enqueue_dma source(%dma_start3A_16 : memref<128xi32, #tpu.memory_space<hbm>>) target(%arg8 : memref<128xi32, #tpu.memory_space<vmem>>) target_semaphore(%arg15 : memref<!tpu.dma_semaphore, #tpu.memory_space<semaphore_mem>>)
    %dma_start3A_17 = arith.constant 1 : i32
    %dma_start3A_18 = arith.constant 0 : i32
    %dma_start3A_19 = tpu.memref_slice %arg7[%dma_start3A_17, %dma_start3A_18] : memref<80x128xi32, #tpu.memory_space<vmem>> -> memref<1x128xi32, #tpu.memory_space<vmem>>
    %dma_start3A_20 = tpu.memref_squeeze %dma_start3A_19 : memref<1x128xi32, #tpu.memory_space<vmem>> -> memref<128xi32, #tpu.memory_space<vmem>>
    %dma_start3A_21 = arith.constant 0 : i32
    %dma_start3A_22 = arith.constant 0 : i32
    %dma_start3A_23 = tpu.memref_slice %arg2[%dma_start3A_21, %dma_start3A_22] : memref<10000x128xf32, #tpu.memory_space<hbm>> -> memref<10000x128xf32, #tpu.memory_space<hbm>>
    tpu.enqueue_indirect_dma source(%dma_start3A_23 : memref<10000x128xf32, #tpu.memory_space<hbm>>) target(%arg11 : memref<128x128xf32, #tpu.memory_space<vmem>>) offsets(%dma_start3A_20 : memref<128xi32, #tpu.memory_space<vmem>>) semaphore(%arg14 : memref<!tpu.dma_semaphore, #tpu.memory_space<semaphore_mem>>)
    %dma_start3A_24 = arith.constant 128 : i32
    %dma_start3A_25 = tpu.memref_slice %arg4[%add3A, %dma_start3A_24] : memref<32x10240xi32, #tpu.memory_space<hbm>> -> memref<1x128xi32, #tpu.memory_space<hbm>>
    %dma_start3A_26 = tpu.memref_squeeze %dma_start3A_25 : memref<1x128xi32, #tpu.memory_space<hbm>> -> memref<128xi32, #tpu.memory_space<hbm>>
    %dma_start3A_27 = arith.constant 128 : i32
    %dma_start3A_28 = tpu.memref_slice %arg4[%add3A, %dma_start3A_27] : memref<32x10240xi32, #tpu.memory_space<hbm>> -> memref<1x128xi32, #tpu.memory_space<hbm>>
    %dma_start3A_29 = tpu.memref_squeeze %dma_start3A_28 : memref<1x128xi32, #tpu.memory_space<hbm>> -> memref<128xi32, #tpu.memory_space<hbm>>
    tpu.enqueue_dma source(%dma_start3A_29 : memref<128xi32, #tpu.memory_space<hbm>>) target(%arg9 : memref<128xi32, #tpu.memory_space<vmem>>) target_semaphore(%arg16 : memref<!tpu.dma_semaphore, #tpu.memory_space<semaphore_mem>>)
    %scan3A = arith.constant 0 : i32
    %scan3A_30 = arith.constant 39 : i32
    %scan3A_31 = arith.addi %scan3A, %scan3A_30 : i32
    %scan3A_32 = arith.constant 1 : i32
    scf.for %scan3A_64 = %scan3A to %scan3A_31 step %scan3A_32  : i32 {
      %mul3A_65 = arith.constant 2 : i32
      %mul3A_66 = arith.muli %scan3A_64, %mul3A_65 : i32
      %add3A_67 = arith.constant 0 : i32
      %add3A_68 = arith.addi %add3A_67, %mul3A_66 : i32
      %dma_wait3A_69 = arith.constant 0 : i32
      %dma_wait3A_70 = tpu.memref_slice %arg7[%add3A_68, %dma_wait3A_69] : memref<80x128xi32, #tpu.memory_space<vmem>> -> memref<1x128xi32, #tpu.memory_space<vmem>>
      %dma_wait3A_71 = tpu.memref_squeeze %dma_wait3A_70 : memref<1x128xi32, #tpu.memory_space<vmem>> -> memref<128xi32, #tpu.memory_space<vmem>>
      %dma_wait3A_72 = arith.constant 0 : i32
      %dma_wait3A_73 = arith.constant 0 : i32
      %dma_wait3A_74 = tpu.memref_slice %arg2[%dma_wait3A_72, %dma_wait3A_73] : memref<10000x128xf32, #tpu.memory_space<hbm>> -> memref<10000x128xf32, #tpu.memory_space<hbm>>
      tpu.wait_indirect_dma semaphore(%arg13 : memref<!tpu.dma_semaphore, #tpu.memory_space<semaphore_mem>>) src(%dma_wait3A_74 : memref<10000x128xf32, #tpu.memory_space<hbm>>) dst(%arg10 : memref<128x128xf32, #tpu.memory_space<vmem>>)
      %mul3A_75 = arith.constant 128 : i32
      %mul3A_76 = arith.muli %add3A_68, %mul3A_75 : i32
      %dma_wait3A_77 = tpu.memref_slice %arg4[%add3A, %mul3A_76] : memref<32x10240xi32, #tpu.memory_space<hbm>> -> memref<1x128xi32, #tpu.memory_space<hbm>>
      %dma_wait3A_78 = tpu.memref_squeeze %dma_wait3A_77 : memref<1x128xi32, #tpu.memory_space<hbm>> -> memref<128xi32, #tpu.memory_space<hbm>>
      %dma_wait3A_79 = tpu.memref_slice %arg4[%add3A, %mul3A_76] : memref<32x10240xi32, #tpu.memory_space<hbm>> -> memref<1x128xi32, #tpu.memory_space<hbm>>
      %dma_wait3A_80 = tpu.memref_squeeze %dma_wait3A_79 : memref<1x128xi32, #tpu.memory_space<hbm>> -> memref<128xi32, #tpu.memory_space<hbm>>
      tpu.wait_dma2 semaphore(%arg15 : memref<!tpu.dma_semaphore, #tpu.memory_space<semaphore_mem>>) src(%dma_wait3A_80 : memref<128xi32, #tpu.memory_space<hbm>>) dst(%arg8 : memref<128xi32, #tpu.memory_space<vmem>>)
      "tpu.region"() ({
        %run_scoped3A = tpu.sem_alloc : memref<!tpu.dma_semaphore, #tpu.memory_space<semaphore_mem>>
        %dma_start3A_129 = arith.constant 0 : i32
        %dma_start3A_130 = arith.constant 0 : i32
        %dma_start3A_131 = tpu.memref_slice %arg12[%dma_start3A_129, %dma_start3A_130] : memref<10240x128xf32, #tpu.memory_space<vmem_shared>> -> memref<10240x128xf32, #tpu.memory_space<vmem_shared>>
        tpu.enqueue_indirect_dma source(%arg10 : memref<128x128xf32, #tpu.memory_space<vmem>>) target(%dma_start3A_131 : memref<10240x128xf32, #tpu.memory_space<vmem_shared>>) offsets(%arg8 : memref<128xi32, #tpu.memory_space<vmem>>) semaphore(%run_scoped3A : memref<!tpu.dma_semaphore, #tpu.memory_space<semaphore_mem>>) {add = true}
        %dma_wait3A_132 = arith.constant 0 : i32
        %dma_wait3A_133 = arith.constant 0 : i32
        %dma_wait3A_134 = tpu.memref_slice %arg12[%dma_wait3A_132, %dma_wait3A_133] : memref<10240x128xf32, #tpu.memory_space<vmem_shared>> -> memref<10240x128xf32, #tpu.memory_space<vmem_shared>>
        tpu.wait_indirect_dma semaphore(%run_scoped3A : memref<!tpu.dma_semaphore, #tpu.memory_space<semaphore_mem>>) src(%arg10 : memref<128x128xf32, #tpu.memory_space<vmem>>) dst(%dma_wait3A_134 : memref<10240x128xf32, #tpu.memory_space<vmem_shared>>)
        tpu.yield
      }) : () -> ()
      %add3A_81 = arith.constant 2 : i32
      %add3A_82 = arith.addi %add3A_68, %add3A_81 : i32
      %dma_start3A_83 = arith.constant 0 : i32
      %dma_start3A_84 = tpu.memref_slice %arg7[%add3A_82, %dma_start3A_83] : memref<80x128xi32, #tpu.memory_space<vmem>> -> memref<1x128xi32, #tpu.memory_space<vmem>>
      %dma_start3A_85 = tpu.memref_squeeze %dma_start3A_84 : memref<1x128xi32, #tpu.memory_space<vmem>> -> memref<128xi32, #tpu.memory_space<vmem>>
      %dma_start3A_86 = arith.constant 0 : i32
      %dma_start3A_87 = arith.constant 0 : i32
      %dma_start3A_88 = tpu.memref_slice %arg2[%dma_start3A_86, %dma_start3A_87] : memref<10000x128xf32, #tpu.memory_space<hbm>> -> memref<10000x128xf32, #tpu.memory_space<hbm>>
      tpu.enqueue_indirect_dma source(%dma_start3A_88 : memref<10000x128xf32, #tpu.memory_space<hbm>>) target(%arg10 : memref<128x128xf32, #tpu.memory_space<vmem>>) offsets(%dma_start3A_85 : memref<128xi32, #tpu.memory_space<vmem>>) semaphore(%arg13 : memref<!tpu.dma_semaphore, #tpu.memory_space<semaphore_mem>>)
      %add3A_89 = arith.constant 2 : i32
      %add3A_90 = arith.addi %add3A_68, %add3A_89 : i32
      %mul3A_91 = arith.constant 128 : i32
      %mul3A_92 = arith.muli %add3A_90, %mul3A_91 : i32
      %dma_start3A_93 = tpu.memref_slice %arg4[%add3A, %mul3A_92] : memref<32x10240xi32, #tpu.memory_space<hbm>> -> memref<1x128xi32, #tpu.memory_space<hbm>>
      %dma_start3A_94 = tpu.memref_squeeze %dma_start3A_93 : memref<1x128xi32, #tpu.memory_space<hbm>> -> memref<128xi32, #tpu.memory_space<hbm>>
      %dma_start3A_95 = tpu.memref_slice %arg4[%add3A, %mul3A_92] : memref<32x10240xi32, #tpu.memory_space<hbm>> -> memref<1x128xi32, #tpu.memory_space<hbm>>
      %dma_start3A_96 = tpu.memref_squeeze %dma_start3A_95 : memref<1x128xi32, #tpu.memory_space<hbm>> -> memref<128xi32, #tpu.memory_space<hbm>>
      tpu.enqueue_dma source(%dma_start3A_96 : memref<128xi32, #tpu.memory_space<hbm>>) target(%arg8 : memref<128xi32, #tpu.memory_space<vmem>>) target_semaphore(%arg15 : memref<!tpu.dma_semaphore, #tpu.memory_space<semaphore_mem>>)
      %add3A_97 = arith.constant 1 : i32
      %add3A_98 = arith.addi %add3A_68, %add3A_97 : i32
      %dma_wait3A_99 = arith.constant 0 : i32
      %dma_wait3A_100 = tpu.memref_slice %arg7[%add3A_98, %dma_wait3A_99] : memref<80x128xi32, #tpu.memory_space<vmem>> -> memref<1x128xi32, #tpu.memory_space<vmem>>
      %dma_wait3A_101 = tpu.memref_squeeze %dma_wait3A_100 : memref<1x128xi32, #tpu.memory_space<vmem>> -> memref<128xi32, #tpu.memory_space<vmem>>
      %dma_wait3A_102 = arith.constant 0 : i32
      %dma_wait3A_103 = arith.constant 0 : i32
      %dma_wait3A_104 = tpu.memref_slice %arg2[%dma_wait3A_102, %dma_wait3A_103] : memref<10000x128xf32, #tpu.memory_space<hbm>> -> memref<10000x128xf32, #tpu.memory_space<hbm>>
      tpu.wait_indirect_dma semaphore(%arg14 : memref<!tpu.dma_semaphore, #tpu.memory_space<semaphore_mem>>) src(%dma_wait3A_104 : memref<10000x128xf32, #tpu.memory_space<hbm>>) dst(%arg11 : memref<128x128xf32, #tpu.memory_space<vmem>>)
      %add3A_105 = arith.constant 1 : i32
      %add3A_106 = arith.addi %add3A_68, %add3A_105 : i32
      %mul3A_107 = arith.constant 128 : i32
      %mul3A_108 = arith.muli %add3A_106, %mul3A_107 : i32
      %dma_wait3A_109 = tpu.memref_slice %arg4[%add3A, %mul3A_108] : memref<32x10240xi32, #tpu.memory_space<hbm>> -> memref<1x128xi32, #tpu.memory_space<hbm>>
      %dma_wait3A_110 = tpu.memref_squeeze %dma_wait3A_109 : memref<1x128xi32, #tpu.memory_space<hbm>> -> memref<128xi32, #tpu.memory_space<hbm>>
      %dma_wait3A_111 = tpu.memref_slice %arg4[%add3A, %mul3A_108] : memref<32x10240xi32, #tpu.memory_space<hbm>> -> memref<1x128xi32, #tpu.memory_space<hbm>>
      %dma_wait3A_112 = tpu.memref_squeeze %dma_wait3A_111 : memref<1x128xi32, #tpu.memory_space<hbm>> -> memref<128xi32, #tpu.memory_space<hbm>>
      tpu.wait_dma2 semaphore(%arg16 : memref<!tpu.dma_semaphore, #tpu.memory_space<semaphore_mem>>) src(%dma_wait3A_112 : memref<128xi32, #tpu.memory_space<hbm>>) dst(%arg9 : memref<128xi32, #tpu.memory_space<vmem>>)
      "tpu.region"() ({
        %run_scoped3A = tpu.sem_alloc : memref<!tpu.dma_semaphore, #tpu.memory_space<semaphore_mem>>
        %dma_start3A_129 = arith.constant 0 : i32
        %dma_start3A_130 = arith.constant 0 : i32
        %dma_start3A_131 = tpu.memref_slice %arg12[%dma_start3A_129, %dma_start3A_130] : memref<10240x128xf32, #tpu.memory_space<vmem_shared>> -> memref<10240x128xf32, #tpu.memory_space<vmem_shared>>
        tpu.enqueue_indirect_dma source(%arg11 : memref<128x128xf32, #tpu.memory_space<vmem>>) target(%dma_start3A_131 : memref<10240x128xf32, #tpu.memory_space<vmem_shared>>) offsets(%arg9 : memref<128xi32, #tpu.memory_space<vmem>>) semaphore(%run_scoped3A : memref<!tpu.dma_semaphore, #tpu.memory_space<semaphore_mem>>) {add = true}
        %dma_wait3A_132 = arith.constant 0 : i32
        %dma_wait3A_133 = arith.constant 0 : i32
        %dma_wait3A_134 = tpu.memref_slice %arg12[%dma_wait3A_132, %dma_wait3A_133] : memref<10240x128xf32, #tpu.memory_space<vmem_shared>> -> memref<10240x128xf32, #tpu.memory_space<vmem_shared>>
        tpu.wait_indirect_dma semaphore(%run_scoped3A : memref<!tpu.dma_semaphore, #tpu.memory_space<semaphore_mem>>) src(%arg11 : memref<128x128xf32, #tpu.memory_space<vmem>>) dst(%dma_wait3A_134 : memref<10240x128xf32, #tpu.memory_space<vmem_shared>>)
        tpu.yield
      }) : () -> ()
      %add3A_113 = arith.constant 3 : i32
      %add3A_114 = arith.addi %add3A_68, %add3A_113 : i32
      %dma_start3A_115 = arith.constant 0 : i32
      %dma_start3A_116 = tpu.memref_slice %arg7[%add3A_114, %dma_start3A_115] : memref<80x128xi32, #tpu.memory_space<vmem>> -> memref<1x128xi32, #tpu.memory_space<vmem>>
      %dma_start3A_117 = tpu.memref_squeeze %dma_start3A_116 : memref<1x128xi32, #tpu.memory_space<vmem>> -> memref<128xi32, #tpu.memory_space<vmem>>
      %dma_start3A_118 = arith.constant 0 : i32
      %dma_start3A_119 = arith.constant 0 : i32
      %dma_start3A_120 = tpu.memref_slice %arg2[%dma_start3A_118, %dma_start3A_119] : memref<10000x128xf32, #tpu.memory_space<hbm>> -> memref<10000x128xf32, #tpu.memory_space<hbm>>
      tpu.enqueue_indirect_dma source(%dma_start3A_120 : memref<10000x128xf32, #tpu.memory_space<hbm>>) target(%arg11 : memref<128x128xf32, #tpu.memory_space<vmem>>) offsets(%dma_start3A_117 : memref<128xi32, #tpu.memory_space<vmem>>) semaphore(%arg14 : memref<!tpu.dma_semaphore, #tpu.memory_space<semaphore_mem>>)
      %add3A_121 = arith.constant 3 : i32
      %add3A_122 = arith.addi %add3A_68, %add3A_121 : i32
      %mul3A_123 = arith.constant 128 : i32
      %mul3A_124 = arith.muli %add3A_122, %mul3A_123 : i32
      %dma_start3A_125 = tpu.memref_slice %arg4[%add3A, %mul3A_124] : memref<32x10240xi32, #tpu.memory_space<hbm>> -> memref<1x128xi32, #tpu.memory_space<hbm>>
      %dma_start3A_126 = tpu.memref_squeeze %dma_start3A_125 : memref<1x128xi32, #tpu.memory_space<hbm>> -> memref<128xi32, #tpu.memory_space<hbm>>
      %dma_start3A_127 = tpu.memref_slice %arg4[%add3A, %mul3A_124] : memref<32x10240xi32, #tpu.memory_space<hbm>> -> memref<1x128xi32, #tpu.memory_space<hbm>>
      %dma_start3A_128 = tpu.memref_squeeze %dma_start3A_127 : memref<1x128xi32, #tpu.memory_space<hbm>> -> memref<128xi32, #tpu.memory_space<hbm>>
      tpu.enqueue_dma source(%dma_start3A_128 : memref<128xi32, #tpu.memory_space<hbm>>) target(%arg9 : memref<128xi32, #tpu.memory_space<vmem>>) target_semaphore(%arg16 : memref<!tpu.dma_semaphore, #tpu.memory_space<semaphore_mem>>)
    }
    %scan3A_33 = arith.constant 39 : i32
    %dma_wait3A = arith.constant 78 : i32
    %dma_wait3A_34 = arith.constant 0 : i32
    %dma_wait3A_35 = tpu.memref_slice %arg7[%dma_wait3A, %dma_wait3A_34] : memref<80x128xi32, #tpu.memory_space<vmem>> -> memref<1x128xi32, #tpu.memory_space<vmem>>
    %dma_wait3A_36 = tpu.memref_squeeze %dma_wait3A_35 : memref<1x128xi32, #tpu.memory_space<vmem>> -> memref<128xi32, #tpu.memory_space<vmem>>
    %dma_wait3A_37 = arith.constant 0 : i32
    %dma_wait3A_38 = arith.constant 0 : i32
    %dma_wait3A_39 = tpu.memref_slice %arg2[%dma_wait3A_37, %dma_wait3A_38] : memref<10000x128xf32, #tpu.memory_space<hbm>> -> memref<10000x128xf32, #tpu.memory_space<hbm>>
    tpu.wait_indirect_dma semaphore(%arg13 : memref<!tpu.dma_semaphore, #tpu.memory_space<semaphore_mem>>) src(%dma_wait3A_39 : memref<10000x128xf32, #tpu.memory_space<hbm>>) dst(%arg10 : memref<128x128xf32, #tpu.memory_space<vmem>>)
    %dma_wait3A_40 = arith.constant 9984 : i32
    %dma_wait3A_41 = tpu.memref_slice %arg4[%add3A, %dma_wait3A_40] : memref<32x10240xi32, #tpu.memory_space<hbm>> -> memref<1x128xi32, #tpu.memory_space<hbm>>
    %dma_wait3A_42 = tpu.memref_squeeze %dma_wait3A_41 : memref<1x128xi32, #tpu.memory_space<hbm>> -> memref<128xi32, #tpu.memory_space<hbm>>
    %dma_wait3A_43 = arith.constant 9984 : i32
    %dma_wait3A_44 = tpu.memref_slice %arg4[%add3A, %dma_wait3A_43] : memref<32x10240xi32, #tpu.memory_space<hbm>> -> memref<1x128xi32, #tpu.memory_space<hbm>>
    %dma_wait3A_45 = tpu.memref_squeeze %dma_wait3A_44 : memref<1x128xi32, #tpu.memory_space<hbm>> -> memref<128xi32, #tpu.memory_space<hbm>>
    tpu.wait_dma2 semaphore(%arg15 : memref<!tpu.dma_semaphore, #tpu.memory_space<semaphore_mem>>) src(%dma_wait3A_45 : memref<128xi32, #tpu.memory_space<hbm>>) dst(%arg8 : memref<128xi32, #tpu.memory_space<vmem>>)
    "tpu.region"() ({
      %run_scoped3A = tpu.sem_alloc : memref<!tpu.dma_semaphore, #tpu.memory_space<semaphore_mem>>
      %dma_start3A_64 = arith.constant 0 : i32
      %dma_start3A_65 = arith.constant 0 : i32
      %dma_start3A_66 = tpu.memref_slice %arg12[%dma_start3A_64, %dma_start3A_65] : memref<10240x128xf32, #tpu.memory_space<vmem_shared>> -> memref<10240x128xf32, #tpu.memory_space<vmem_shared>>
      tpu.enqueue_indirect_dma source(%arg10 : memref<128x128xf32, #tpu.memory_space<vmem>>) target(%dma_start3A_66 : memref<10240x128xf32, #tpu.memory_space<vmem_shared>>) offsets(%arg8 : memref<128xi32, #tpu.memory_space<vmem>>) semaphore(%run_scoped3A : memref<!tpu.dma_semaphore, #tpu.memory_space<semaphore_mem>>) {add = true}
      %dma_wait3A_67 = arith.constant 0 : i32
      %dma_wait3A_68 = arith.constant 0 : i32
      %dma_wait3A_69 = tpu.memref_slice %arg12[%dma_wait3A_67, %dma_wait3A_68] : memref<10240x128xf32, #tpu.memory_space<vmem_shared>> -> memref<10240x128xf32, #tpu.memory_space<vmem_shared>>
      tpu.wait_indirect_dma semaphore(%run_scoped3A : memref<!tpu.dma_semaphore, #tpu.memory_space<semaphore_mem>>) src(%arg10 : memref<128x128xf32, #tpu.memory_space<vmem>>) dst(%dma_wait3A_69 : memref<10240x128xf32, #tpu.memory_space<vmem_shared>>)
      tpu.yield
    }) : () -> ()
    %dma_wait3A_46 = arith.constant 79 : i32
    %dma_wait3A_47 = arith.constant 0 : i32
    %dma_wait3A_48 = tpu.memref_slice %arg7[%dma_wait3A_46, %dma_wait3A_47] : memref<80x128xi32, #tpu.memory_space<vmem>> -> memref<1x128xi32, #tpu.memory_space<vmem>>
    %dma_wait3A_49 = tpu.memref_squeeze %dma_wait3A_48 : memref<1x128xi32, #tpu.memory_space<vmem>> -> memref<128xi32, #tpu.memory_space<vmem>>
    %dma_wait3A_50 = arith.constant 0 : i32
    %dma_wait3A_51 = arith.constant 0 : i32
    %dma_wait3A_52 = tpu.memref_slice %arg2[%dma_wait3A_50, %dma_wait3A_51] : memref<10000x128xf32, #tpu.memory_space<hbm>> -> memref<10000x128xf32, #tpu.memory_space<hbm>>
    tpu.wait_indirect_dma semaphore(%arg14 : memref<!tpu.dma_semaphore, #tpu.memory_space<semaphore_mem>>) src(%dma_wait3A_52 : memref<10000x128xf32, #tpu.memory_space<hbm>>) dst(%arg11 : memref<128x128xf32, #tpu.memory_space<vmem>>)
    %dma_wait3A_53 = arith.constant 10112 : i32
    %dma_wait3A_54 = tpu.memref_slice %arg4[%add3A, %dma_wait3A_53] : memref<32x10240xi32, #tpu.memory_space<hbm>> -> memref<1x128xi32, #tpu.memory_space<hbm>>
    %dma_wait3A_55 = tpu.memref_squeeze %dma_wait3A_54 : memref<1x128xi32, #tpu.memory_space<hbm>> -> memref<128xi32, #tpu.memory_space<hbm>>
    %dma_wait3A_56 = arith.constant 10112 : i32
    %dma_wait3A_57 = tpu.memref_slice %arg4[%add3A, %dma_wait3A_56] : memref<32x10240xi32, #tpu.memory_space<hbm>> -> memref<1x128xi32, #tpu.memory_space<hbm>>
    %dma_wait3A_58 = tpu.memref_squeeze %dma_wait3A_57 : memref<1x128xi32, #tpu.memory_space<hbm>> -> memref<128xi32, #tpu.memory_space<hbm>>
    tpu.wait_dma2 semaphore(%arg16 : memref<!tpu.dma_semaphore, #tpu.memory_space<semaphore_mem>>) src(%dma_wait3A_58 : memref<128xi32, #tpu.memory_space<hbm>>) dst(%arg9 : memref<128xi32, #tpu.memory_space<vmem>>)
    "tpu.region"() ({
      %run_scoped3A = tpu.sem_alloc : memref<!tpu.dma_semaphore, #tpu.memory_space<semaphore_mem>>
      %dma_start3A_64 = arith.constant 0 : i32
      %dma_start3A_65 = arith.constant 0 : i32
      %dma_start3A_66 = tpu.memref_slice %arg12[%dma_start3A_64, %dma_start3A_65] : memref<10240x128xf32, #tpu.memory_space<vmem_shared>> -> memref<10240x128xf32, #tpu.memory_space<vmem_shared>>
      tpu.enqueue_indirect_dma source(%arg11 : memref<128x128xf32, #tpu.memory_space<vmem>>) target(%dma_start3A_66 : memref<10240x128xf32, #tpu.memory_space<vmem_shared>>) offsets(%arg9 : memref<128xi32, #tpu.memory_space<vmem>>) semaphore(%run_scoped3A : memref<!tpu.dma_semaphore, #tpu.memory_space<semaphore_mem>>) {add = true}
      %dma_wait3A_67 = arith.constant 0 : i32
      %dma_wait3A_68 = arith.constant 0 : i32
      %dma_wait3A_69 = tpu.memref_slice %arg12[%dma_wait3A_67, %dma_wait3A_68] : memref<10240x128xf32, #tpu.memory_space<vmem_shared>> -> memref<10240x128xf32, #tpu.memory_space<vmem_shared>>
      tpu.wait_indirect_dma semaphore(%run_scoped3A : memref<!tpu.dma_semaphore, #tpu.memory_space<semaphore_mem>>) src(%arg11 : memref<128x128xf32, #tpu.memory_space<vmem>>) dst(%dma_wait3A_69 : memref<10240x128xf32, #tpu.memory_space<vmem_shared>>)
      tpu.yield
    }) : () -> ()
    %barrier3A_59 = arith.constant 0 : index
    tpu.barrier barrier_id(%barrier3A_59)
    %mul3A_60 = arith.constant 640 : i32
    %mul3A_61 = arith.muli %arg1, %mul3A_60 : i32
    %mul3A_62 = arith.constant 640 : i32
    %mul3A_63 = arith.muli %arg1, %mul3A_62 : i32
    "tpu.region"() ({
      %run_scoped3A = tpu.sem_alloc : memref<!tpu.dma_semaphore, #tpu.memory_space<semaphore_mem>>
      %dma_start3A_64 = arith.constant 0 : i32
      %dma_start3A_65 = tpu.memref_slice %arg6[%arg0, %mul3A_63, %dma_start3A_64] : memref<2x10240x128xf32, #tpu.memory_space<hbm>> -> memref<1x640x128xf32, #tpu.memory_space<hbm>>
      %dma_start3A_66 = tpu.memref_squeeze %dma_start3A_65 : memref<1x640x128xf32, #tpu.memory_space<hbm>> -> memref<640x128xf32, #tpu.memory_space<hbm>>
      %dma_start3A_67 = arith.constant 0 : i32
      %dma_start3A_68 = tpu.memref_slice %arg12[%mul3A_61, %dma_start3A_67] : memref<10240x128xf32, #tpu.memory_space<vmem_shared>> -> memref<640x128xf32, #tpu.memory_space<vmem_shared>>
      tpu.enqueue_dma source(%dma_start3A_68 : memref<640x128xf32, #tpu.memory_space<vmem_shared>>) target(%dma_start3A_66 : memref<640x128xf32, #tpu.memory_space<hbm>>) target_semaphore(%run_scoped3A : memref<!tpu.dma_semaphore, #tpu.memory_space<semaphore_mem>>)
      %dma_wait3A_69 = arith.constant 0 : i32
      %dma_wait3A_70 = tpu.memref_slice %arg6[%arg0, %mul3A_63, %dma_wait3A_69] : memref<2x10240x128xf32, #tpu.memory_space<hbm>> -> memref<1x640x128xf32, #tpu.memory_space<hbm>>
      %dma_wait3A_71 = tpu.memref_squeeze %dma_wait3A_70 : memref<1x640x128xf32, #tpu.memory_space<hbm>> -> memref<640x128xf32, #tpu.memory_space<hbm>>
      %dma_wait3A_72 = arith.constant 0 : i32
      %dma_wait3A_73 = tpu.memref_slice %arg12[%mul3A_61, %dma_wait3A_72] : memref<10240x128xf32, #tpu.memory_space<vmem_shared>> -> memref<640x128xf32, #tpu.memory_space<vmem_shared>>
      tpu.wait_dma2 semaphore(%run_scoped3A : memref<!tpu.dma_semaphore, #tpu.memory_space<semaphore_mem>>) src(%dma_wait3A_73 : memref<640x128xf32, #tpu.memory_space<vmem_shared>>) dst(%dma_wait3A_71 : memref<640x128xf32, #tpu.memory_space<hbm>>)
      tpu.yield
    }) : () -> ()
    return
  }
}

module attributes {stable_mosaic.version = 14 : i64} {
  func.func @_tc_self(%arg0: i32, %arg1: memref<2000x128xf32, #tpu.memory_space<vmem>>, %arg2: memref<128x128xf32, #tpu.memory_space<vmem>>, %arg3: memref<1x128xf32, #tpu.memory_space<vmem>>, %arg4: memref<2000x128xf32, #tpu.memory_space<vmem>>) attributes {dimension_semantics = [#tpu.dimension_semantics<arbitrary>], iteration_bounds = array<i64: 5>, scalar_prefetch = 0 : i64, scratch_operands = 0 : i64, tpu.core_type = #tpu.core_type<tc>, window_params = [{transform_indices = @transform_0, window_bounds = array<i64: 2000, 128>}, {pipeline_mode = #tpu.pipeline_mode<synchronous>, transform_indices = @transform_1, window_bounds = array<i64: 128, 128>}, {pipeline_mode = #tpu.pipeline_mode<synchronous>, transform_indices = @transform_2, window_bounds = array<i64: 1, 128>}, {transform_indices = @transform_3, window_bounds = array<i64: 2000, 128>}]} {
    %get3A = arith.constant 0 : index
    %get3A_0 = arith.constant 0 : index
    %get3A_1 = vector.load %arg1[%get3A, %get3A_0] : memref<2000x128xf32, #tpu.memory_space<vmem>>, vector<2000x128xf32>
    %get3A_2 = arith.constant 0 : index
    %get3A_3 = arith.constant 0 : index
    %get3A_4 = vector.load %arg2[%get3A_2, %get3A_3] : memref<128x128xf32, #tpu.memory_space<vmem>>, vector<128x128xf32>
    %dot_general3A = arith.constant dense<0.000000e+00> : vector<2000x128xf32>
    %dot_general3A_5 = tpu.matmul %get3A_1, %get3A_4, %dot_general3A {dimension_numbers = #tpu.dot_dimension_numbers<[1], [1], [0], [0], [0, 0, 1, 0], [], []>, precision = #tpu.contract_precision<fp32>, transpose_lhs_hint = false} : vector<2000x128xf32>, vector<128x128xf32>, vector<2000x128xf32> -> vector<2000x128xf32>
    %get3A_6 = arith.constant 0 : index
    %get3A_7 = arith.constant 0 : index
    %get3A_8 = vector.load %arg3[%get3A_6, %get3A_7] : memref<1x128xf32, #tpu.memory_space<vmem>>, vector<1x128xf32>
    %add3A = vector.broadcast %get3A_8 : vector<1x128xf32> to vector<2000x128xf32>
    %add3A_9 = arith.addf %dot_general3A_5, %add3A : vector<2000x128xf32>
    %swap3A = arith.constant 0 : index
    %swap3A_10 = arith.constant 0 : index
    %swap3A_11 = vector.load %arg4[%swap3A, %swap3A_10] : memref<2000x128xf32, #tpu.memory_space<vmem>>, vector<2000x128xf32>
    tpu.vector_store %arg4[%swap3A, %swap3A_10], %add3A_9 {strides = array<i32>} : memref<2000x128xf32, #tpu.memory_space<vmem>>, vector<2000x128xf32>,
    return
  }
  func.func @transform_0(%arg0: i32) -> (i32, i32) {
    %c0_i32 = arith.constant 0 : i32
    %c0_i32_0 = arith.constant 0 : i32
    return %arg0, %c0_i32 : i32, i32
  }
  func.func @transform_1(%arg0: i32) -> (i32, i32) {
    %c0_i32 = arith.constant 0 : i32
    %c0_i32_0 = arith.constant 0 : i32
    %c0_i32_1 = arith.constant 0 : i32
    return %c0_i32, %c0_i32_0 : i32, i32
  }
  func.func @transform_2(%arg0: i32) -> (i32, i32) {
    %c0_i32 = arith.constant 0 : i32
    %c0_i32_0 = arith.constant 0 : i32
    %c0_i32_1 = arith.constant 0 : i32
    return %c0_i32, %c0_i32_0 : i32, i32
  }
  func.func @transform_3(%arg0: i32) -> (i32, i32) {
    %c0_i32 = arith.constant 0 : i32
    %c0_i32_0 = arith.constant 0 : i32
    return %arg0, %c0_i32 : i32, i32
  }
}

module attributes {stable_mosaic.version = 14 : i64} {
  func.func @_tc_layer(%arg0: i32, %arg1: memref<2x2000x128xf32, #tpu.memory_space<vmem>>, %arg2: memref<2x2000x1xf32, #tpu.memory_space<vmem>>, %arg3: memref<2000x128xf32, #tpu.memory_space<vmem>>, %arg4: memref<128x128xf32, #tpu.memory_space<vmem>>, %arg5: memref<2000x128xf32, #tpu.memory_space<vmem>>) attributes {dimension_semantics = [#tpu.dimension_semantics<arbitrary>], iteration_bounds = array<i64: 5>, scalar_prefetch = 0 : i64, scratch_operands = 0 : i64, tpu.core_type = #tpu.core_type<tc>, window_params = [{transform_indices = @transform_0, window_bounds = array<i64: 2, 2000, 128>}, {transform_indices = @transform_1, window_bounds = array<i64: 2, 2000, 1>}, {transform_indices = @transform_2, window_bounds = array<i64: 2000, 128>}, {pipeline_mode = #tpu.pipeline_mode<synchronous>, transform_indices = @transform_3, window_bounds = array<i64: 128, 128>}, {transform_indices = @transform_4, window_bounds = array<i64: 2000, 128>}]} {
    %get3A = arith.constant 0 : index
    %get3A_0 = arith.constant 0 : index
    %get3A_1 = arith.constant 0 : index
    %get3A_2 = vector.load %arg1[%get3A, %get3A_0, %get3A_1] : memref<2x2000x128xf32, #tpu.memory_space<vmem>>, vector<1x2000x128xf32>
    %get3A_3 = vector.shape_cast %get3A_2 : vector<1x2000x128xf32> to vector<2000x128xf32>
    %get3A_4 = arith.constant 1 : index
    %get3A_5 = arith.constant 0 : index
    %get3A_6 = arith.constant 0 : index
    %get3A_7 = vector.load %arg1[%get3A_4, %get3A_5, %get3A_6] : memref<2x2000x128xf32, #tpu.memory_space<vmem>>, vector<1x2000x128xf32>
    %get3A_8 = vector.shape_cast %get3A_7 : vector<1x2000x128xf32> to vector<2000x128xf32>
    %add3A = arith.addf %get3A_3, %get3A_8 : vector<2000x128xf32>
    %get3A_9 = arith.constant 0 : index
    %get3A_10 = arith.constant 0 : index
    %get3A_11 = arith.constant 0 : index
    %get3A_12 = vector.load %arg2[%get3A_9, %get3A_10, %get3A_11] : memref<2x2000x1xf32, #tpu.memory_space<vmem>>, vector<1x2000x1xf32>
    %get3A_13 = vector.shape_cast %get3A_12 : vector<1x2000x1xf32> to vector<2000x1xf32>
    %get3A_14 = arith.constant 1 : index
    %get3A_15 = arith.constant 0 : index
    %get3A_16 = arith.constant 0 : index
    %get3A_17 = vector.load %arg2[%get3A_14, %get3A_15, %get3A_16] : memref<2x2000x1xf32, #tpu.memory_space<vmem>>, vector<1x2000x1xf32>
    %get3A_18 = vector.shape_cast %get3A_17 : vector<1x2000x1xf32> to vector<2000x1xf32>
    %add3A_19 = arith.addf %get3A_13, %get3A_18 : vector<2000x1xf32>
    %max3A = arith.constant 1.000000e+00 : f32
    %max3A_20 = vector.broadcast %max3A : f32 to vector<2000x1xf32>
    %max3A_21 = arith.maximumf %add3A_19, %max3A_20 : vector<2000x1xf32>
    %div3A = arith.constant 1.000000e+00 : f32
    %div3A_22 = vector.broadcast %div3A : f32 to vector<2000x1xf32>
    %div3A_23 = arith.divf %div3A_22, %max3A_21 : vector<2000x1xf32>
    %mul3A = vector.broadcast %div3A_23 : vector<2000x1xf32> to vector<2000x128xf32>
    %mul3A_24 = arith.mulf %add3A, %mul3A : vector<2000x128xf32>
    %get3A_25 = arith.constant 0 : index
    %get3A_26 = arith.constant 0 : index
    %get3A_27 = vector.load %arg4[%get3A_25, %get3A_26] : memref<128x128xf32, #tpu.memory_space<vmem>>, vector<128x128xf32>
    %dot_general3A = arith.constant dense<0.000000e+00> : vector<2000x128xf32>
    %dot_general3A_28 = tpu.matmul %mul3A_24, %get3A_27, %dot_general3A {dimension_numbers = #tpu.dot_dimension_numbers<[1], [1], [0], [0], [0, 0, 1, 0], [], []>, precision = #tpu.contract_precision<fp32>, transpose_lhs_hint = false} : vector<2000x128xf32>, vector<128x128xf32>, vector<2000x128xf32> -> vector<2000x128xf32>
    %get3A_29 = arith.constant 0 : index
    %get3A_30 = arith.constant 0 : index
    %get3A_31 = vector.load %arg3[%get3A_29, %get3A_30] : memref<2000x128xf32, #tpu.memory_space<vmem>>, vector<2000x128xf32>
    %add3A_32 = arith.addf %dot_general3A_28, %get3A_31 : vector<2000x128xf32>
    %max3A_33 = arith.constant 0.000000e+00 : f32
    %max3A_34 = vector.broadcast %max3A_33 : f32 to vector<2000x128xf32>
    %max3A_35 = arith.maximumf %add3A_32, %max3A_34 : vector<2000x128xf32>
    %swap3A = arith.constant 0 : index
    %swap3A_36 = arith.constant 0 : index
    %swap3A_37 = vector.load %arg5[%swap3A, %swap3A_36] : memref<2000x128xf32, #tpu.memory_space<vmem>>, vector<2000x128xf32>
    tpu.vector_store %arg5[%swap3A, %swap3A_36], %max3A_35 {strides = array<i32>} : memref<2000x128xf32, #tpu.memory_space<vmem>>, vector<2000x128xf32>,
    return
  }
  func.func @transform_0(%arg0: i32) -> (i32, i32, i32) {
    %c0_i32 = arith.constant 0 : i32
    %c0_i32_0 = arith.constant 0 : i32
    %c0_i32_1 = arith.constant 0 : i32
    return %c0_i32, %arg0, %c0_i32_0 : i32, i32, i32
  }
  func.func @transform_1(%arg0: i32) -> (i32, i32, i32) {
    %c0_i32 = arith.constant 0 : i32
    %c0_i32_0 = arith.constant 0 : i32
    %c0_i32_1 = arith.constant 0 : i32
    return %c0_i32, %arg0, %c0_i32_0 : i32, i32, i32
  }
  func.func @transform_2(%arg0: i32) -> (i32, i32) {
    %c0_i32 = arith.constant 0 : i32
    %c0_i32_0 = arith.constant 0 : i32
    return %arg0, %c0_i32 : i32, i32
  }
  func.func @transform_3(%arg0: i32) -> (i32, i32) {
    %c0_i32 = arith.constant 0 : i32
    %c0_i32_0 = arith.constant 0 : i32
    %c0_i32_1 = arith.constant 0 : i32
    return %c0_i32, %c0_i32_0 : i32, i32
  }
  func.func @transform_4(%arg0: i32) -> (i32, i32) {
    %c0_i32 = arith.constant 0 : i32
    %c0_i32_0 = arith.constant 0 : i32
    return %arg0, %c0_i32 : i32, i32
  }
}

module attributes {stable_mosaic.version = 14 : i64} {
  func.func @_tc_layer(%arg0: i32, %arg1: memref<2x2000x128xf32, #tpu.memory_space<vmem>>, %arg2: memref<2x2000x1xf32, #tpu.memory_space<vmem>>, %arg3: memref<2000x128xf32, #tpu.memory_space<vmem>>, %arg4: memref<128x128xf32, #tpu.memory_space<vmem>>, %arg5: memref<2000x128xf32, #tpu.memory_space<vmem>>) attributes {dimension_semantics = [#tpu.dimension_semantics<arbitrary>], iteration_bounds = array<i64: 5>, scalar_prefetch = 0 : i64, scratch_operands = 0 : i64, tpu.core_type = #tpu.core_type<tc>, window_params = [{transform_indices = @transform_0, window_bounds = array<i64: 2, 2000, 128>}, {transform_indices = @transform_1, window_bounds = array<i64: 2, 2000, 1>}, {transform_indices = @transform_2, window_bounds = array<i64: 2000, 128>}, {pipeline_mode = #tpu.pipeline_mode<synchronous>, transform_indices = @transform_3, window_bounds = array<i64: 128, 128>}, {transform_indices = @transform_4, window_bounds = array<i64: 2000, 128>}]} {
    %get3A = arith.constant 0 : index
    %get3A_0 = arith.constant 0 : index
    %get3A_1 = arith.constant 0 : index
    %get3A_2 = vector.load %arg1[%get3A, %get3A_0, %get3A_1] : memref<2x2000x128xf32, #tpu.memory_space<vmem>>, vector<1x2000x128xf32>
    %get3A_3 = vector.shape_cast %get3A_2 : vector<1x2000x128xf32> to vector<2000x128xf32>
    %get3A_4 = arith.constant 1 : index
    %get3A_5 = arith.constant 0 : index
    %get3A_6 = arith.constant 0 : index
    %get3A_7 = vector.load %arg1[%get3A_4, %get3A_5, %get3A_6] : memref<2x2000x128xf32, #tpu.memory_space<vmem>>, vector<1x2000x128xf32>
    %get3A_8 = vector.shape_cast %get3A_7 : vector<1x2000x128xf32> to vector<2000x128xf32>
    %add3A = arith.addf %get3A_3, %get3A_8 : vector<2000x128xf32>
    %get3A_9 = arith.constant 0 : index
    %get3A_10 = arith.constant 0 : index
    %get3A_11 = arith.constant 0 : index
    %get3A_12 = vector.load %arg2[%get3A_9, %get3A_10, %get3A_11] : memref<2x2000x1xf32, #tpu.memory_space<vmem>>, vector<1x2000x1xf32>
    %get3A_13 = vector.shape_cast %get3A_12 : vector<1x2000x1xf32> to vector<2000x1xf32>
    %get3A_14 = arith.constant 1 : index
    %get3A_15 = arith.constant 0 : index
    %get3A_16 = arith.constant 0 : index
    %get3A_17 = vector.load %arg2[%get3A_14, %get3A_15, %get3A_16] : memref<2x2000x1xf32, #tpu.memory_space<vmem>>, vector<1x2000x1xf32>
    %get3A_18 = vector.shape_cast %get3A_17 : vector<1x2000x1xf32> to vector<2000x1xf32>
    %add3A_19 = arith.addf %get3A_13, %get3A_18 : vector<2000x1xf32>
    %max3A = arith.constant 1.000000e+00 : f32
    %max3A_20 = vector.broadcast %max3A : f32 to vector<2000x1xf32>
    %max3A_21 = arith.maximumf %add3A_19, %max3A_20 : vector<2000x1xf32>
    %div3A = arith.constant 1.000000e+00 : f32
    %div3A_22 = vector.broadcast %div3A : f32 to vector<2000x1xf32>
    %div3A_23 = arith.divf %div3A_22, %max3A_21 : vector<2000x1xf32>
    %mul3A = vector.broadcast %div3A_23 : vector<2000x1xf32> to vector<2000x128xf32>
    %mul3A_24 = arith.mulf %add3A, %mul3A : vector<2000x128xf32>
    %get3A_25 = arith.constant 0 : index
    %get3A_26 = arith.constant 0 : index
    %get3A_27 = vector.load %arg4[%get3A_25, %get3A_26] : memref<128x128xf32, #tpu.memory_space<vmem>>, vector<128x128xf32>
    %dot_general3A = arith.constant dense<0.000000e+00> : vector<2000x128xf32>
    %dot_general3A_28 = tpu.matmul %mul3A_24, %get3A_27, %dot_general3A {dimension_numbers = #tpu.dot_dimension_numbers<[1], [1], [0], [0], [0, 0, 1, 0], [], []>, precision = #tpu.contract_precision<fp32>, transpose_lhs_hint = false} : vector<2000x128xf32>, vector<128x128xf32>, vector<2000x128xf32> -> vector<2000x128xf32>
    %get3A_29 = arith.constant 0 : index
    %get3A_30 = arith.constant 0 : index
    %get3A_31 = vector.load %arg3[%get3A_29, %get3A_30] : memref<2000x128xf32, #tpu.memory_space<vmem>>, vector<2000x128xf32>
    %add3A_32 = arith.addf %dot_general3A_28, %get3A_31 : vector<2000x128xf32>
    %swap3A = arith.constant 0 : index
    %swap3A_33 = arith.constant 0 : index
    %swap3A_34 = vector.load %arg5[%swap3A, %swap3A_33] : memref<2000x128xf32, #tpu.memory_space<vmem>>, vector<2000x128xf32>
    tpu.vector_store %arg5[%swap3A, %swap3A_33], %add3A_32 {strides = array<i32>} : memref<2000x128xf32, #tpu.memory_space<vmem>>, vector<2000x128xf32>,
    return
  }
  func.func @transform_0(%arg0: i32) -> (i32, i32, i32) {
    %c0_i32 = arith.constant 0 : i32
    %c0_i32_0 = arith.constant 0 : i32
    %c0_i32_1 = arith.constant 0 : i32
    return %c0_i32, %arg0, %c0_i32_0 : i32, i32, i32
  }
  func.func @transform_1(%arg0: i32) -> (i32, i32, i32) {
    %c0_i32 = arith.constant 0 : i32
    %c0_i32_0 = arith.constant 0 : i32
    %c0_i32_1 = arith.constant 0 : i32
    return %c0_i32, %arg0, %c0_i32_0 : i32, i32, i32
  }
  func.func @transform_2(%arg0: i32) -> (i32, i32) {
    %c0_i32 = arith.constant 0 : i32
    %c0_i32_0 = arith.constant 0 : i32
    return %arg0, %c0_i32 : i32, i32
  }
  func.func @transform_3(%arg0: i32) -> (i32, i32) {
    %c0_i32 = arith.constant 0 : i32
    %c0_i32_0 = arith.constant 0 : i32
    %c0_i32_1 = arith.constant 0 : i32
    return %c0_i32, %c0_i32_0 : i32, i32
  }
  func.func @transform_4(%arg0: i32) -> (i32, i32) {
    %c0_i32 = arith.constant 0 : i32
    %c0_i32_0 = arith.constant 0 : i32
    return %arg0, %c0_i32 : i32, i32
  }
}

</mosaic_0001>

<sc_bundles>
// kernel: kernel.12.cloned.1.call-start
scs
__scs_entry_jumppad:
0x0: {  	(pc) =	sbr.rel $0x88, $3  }
0x1: {  	(tag) =	ssettag $0x0;
	lr =	simm.s32 $0x1  }
0x2: {  	[smem:$0x3F99] =	sst lr;
	_ =	strace $0xD0000000  }
0x3: {  	_ = 	snop  }
0x4: {  	_ = 	snop  }
0x5: {  	_ = 	snop  }
0x6: {  	_ = 	snop  }
0x7: {  	_ = 	snop  }
__scs_overlays_trampoline_lowered:
0x8: {  	[smem:$0x3FA8] =	sst s0  }
0x9: {  	[smem:$0x3FA9] =	sst s1  }
0xa: {  	[smem:$0x3FAA] =	sst s2  }
0xb: {  	[smem:$0x3FAB] =	sst s3  }
0xc: {  	[smem:$0x3FAC] =	sst s4  }
0xd: {  	[smem:$0x3FAD] =	sst s5  }
0xe: {  	[smem:$0x3FAE] =	sst s6  }
0xf: {  	[smem:$0x3FAF] =	sst s7  }
0x10: {  	[smem:$0x3FB0] =	sst s8  }
0x11: {  	[smem:$0x3FB1] =	sst s9;
	s0 =	simm.s32 @!p0 $0x0  }
0x12: {  	s1 =	sld [smem:$0x3F97];
	s0 =	simm.s32 @p0 $0x1  }
0x13: {  	[smem:$0x3FB2] =	sst s0;
	s0 =	simm.s32 @!p1 $0x0  }
0x14: {  	s2 =	sld [smem:$0x3F96];
	s0 =	simm.s32 @p1 $0x1  }
0x15: {  	[smem:$0x3FB3] =	sst s0;
	s0 =	simm.s32 @!p2 $0x0  }
0x16: {  	s3 =	sld [smem:$0x3FDB];
	s0 =	simm.s32 @p2 $0x1  }
0x17: {  	s4 =	simm.s32 $0x1BF5;
	[smem:$0x3FB5] =	sst s0  }
0x18: {  	s0 =	sld [smem:$0x3F98];
	_ =	swait.ge [sflag:s4], $0x0  }
0x19: {  	s7 =	sld [smem:$0x3F99]  }
0x1a: {  	s8 =	sadd.s32 $0xFFFFE003, lr  }
0x1b: {  	s9 =	sadd.s32 $0xFFFFFEF7, lr;
	s5 =	simm.s32 $0xFFFFFFFF;
	p2 =	slt.u32 s8, $0xFFFFF086  }
0x1c: {  	p1 =	slt.u32 s9, $0xF7A;
	s5 =	simm.s32 @!p2 $0x0  }
0x1d: {  	s5 =	simm.s32 @p1 $0x1;
	p0 =	seq.s32 s7, s2  }
0x1e: {  	s7 =	smul.u32 @!p0 $0xF7A, s2;
	p2 =	seq.s32 @!p0 s5, $0x0  }
0x1f: {  	s9 =	smul.u32 $0xF7A, s1;
	s8 =	simm.s32 @!p0 $0x1BF5;
	p2 =	por !p2, p0  }
0x20: {  	[sflag:s8] =	ssyncset.s32 @!p0 $0xFFFFF086;
	s6 =	sadd.s32 @!p0 s3, s7;
	s7 =	simm.s32 @!p0 $0x108  }
0x21: {  	s3 =	sadd.s32 s3, s9;
	s6 =	sadd.s32 @!p0 $0x88, s6;
	s7 =	simm.s32 @p2 $0x1082  }
0x22: {  	[simem:s7], [sflag:s8] =	dma.local @!p0 [hbm:s6], $0xF7A  }
0x23: {  	s9 =	sor.u32 $0xD0000000, s2;
	s6 =	simm.s32 $0x108;
	_ =	swait.ge @!p0 [sflag:s8], $0x0  }
0x24: {  	s3 =	sadd.s32 $0x88, s3;
	s6 =	simm.s32 @!p1 $0x1082;
	[sflag:s4] =	ssyncset.s32 $0xFFFFF086  }
0x25: {  	[simem:s6], [sflag:s4] =	dma.local [hbm:s3], $0xF7A  }
0x26: {  	[smem:$0x3F99] =	sst s1;
	(tag) =	ssettag s2;
	_ =	strace s9  }
0x27: {  	s1 =	sld [smem:$0x3FA9]  }
0x28: {  	s2 =	sld [smem:$0x3FAA]  }
0x29: {  	s4 =	sld [smem:$0x3FAC]  }
0x2a: {  	p0 =	seq.s32 s5, $0x0;
	s5 =	sld [smem:$0x3FAD]  }
0x2b: {  	s6 =	sld [smem:$0x3FAE]  }
0x2c: {  	s7 =	sld [smem:$0x3FAF]  }
0x2d: {  	s3 =	simm.s32 $0x108;
	s8 =	sld [smem:$0x3FB0]  }
0x2e: {  	s3 =	simm.s32 @!p0 $0x1082;
	s9 =	sld [smem:$0x3FB1]  }
0x2f: {  	lr =	sadd.s32 s0, s3;
	s0 =	sld [smem:$0x3FA8]  }
0x30: {  	s3 =	sld [smem:$0x3FAB]  }
0x31: {  	[smem:$0x3FB4] =	sst s10  }
0x32: {  	s10 =	sld [smem:$0x3FB2];
	_ =	sdelay $0x3  }
0x33: {  	p0 =	seq.s32 s10, $0x1;
	s10 =	sld [smem:$0x3FB4];
	_ =	sdelay $0x3  }
0x34: {  	[smem:$0x3FB4] =	sst s10  }
0x35: {  	s10 =	sld [smem:$0x3FB3];
	_ =	sdelay $0x3  }
0x36: {  	p1 =	seq.s32 s10, $0x1;
	s10 =	sld [smem:$0x3FB4];
	_ =	sdelay $0x3  }
0x37: {  	[smem:$0x3FB4] =	sst s10  }
0x38: {  	s10 =	sld [smem:$0x3FB5]  }
0x39: {  	_ = 	snop;
	(pc) =	sbr.ind lr, $3  }
0x3a: {  	_ = 	snop  }
0x3b: {  	_ = 	snop  }
0x3c: {  	p2 =	seq.s32 s10, $0x1;
	s10 =	sld [smem:$0x3FB4]  }
0x3d: {  	_ =	shalt  }
0x3e: {  	_ =	shalt  }
0x3f: {  	_ =	shalt  }
0x40: {  	_ =	shalt  }
0x41: {  	_ =	shalt  }
0x42: {  	_ =	shalt  }
0x43: {  	_ =	shalt  }
0x44: {  	_ =	shalt  }
0x45: {  	_ =	shalt  }
0x46: {  	_ =	shalt  }
0x47: {  	_ =	shalt  }
0x48: {  	_ =	shalt  }
0x49: {  	_ =	shalt  }
0x4a: {  	_ =	shalt  }
0x4b: {  	_ =	shalt  }
0x4c: {  	_ =	shalt  }
0x4d: {  	_ =	shalt  }
0x4e: {  	_ =	shalt  }
0x4f: {  	_ =	shalt  }
0x50: {  	_ =	shalt  }
0x51: {  	_ =	shalt  }
0x52: {  	_ =	shalt  }
0x53: {  	_ =	shalt  }
0x54: {  	_ =	shalt  }
0x55: {  	_ =	shalt  }
0x56: {  	_ =	shalt  }
0x57: {  	_ =	shalt  }
0x58: {  	_ =	shalt  }
0x59: {  	_ =	shalt  }
0x5a: {  	_ =	shalt  }
0x5b: {  	_ =	shalt  }
0x5c: {  	_ =	shalt  }
0x5d: {  	_ =	shalt  }
0x5e: {  	_ =	shalt  }
0x5f: {  	_ =	shalt  }
0x60: {  	_ =	shalt  }
0x61: {  	_ =	shalt  }
0x62: {  	_ =	shalt  }
0x63: {  	_ =	shalt  }
0x64: {  	_ =	shalt  }
0x65: {  	_ =	shalt  }
0x66: {  	_ =	shalt  }
0x67: {  	_ =	shalt  }
0x68: {  	_ =	shalt  }
0x69: {  	_ =	shalt  }
0x6a: {  	_ =	shalt  }
0x6b: {  	_ =	shalt  }
0x6c: {  	_ =	shalt  }
0x6d: {  	_ =	shalt  }
0x6e: {  	_ =	shalt  }
0x6f: {  	_ =	shalt  }
0x70: {  	_ =	shalt  }
0x71: {  	_ =	shalt  }
0x72: {  	_ =	shalt  }
0x73: {  	_ =	shalt  }
0x74: {  	_ =	shalt  }
0x75: {  	_ =	shalt  }
0x76: {  	_ =	shalt  }
0x77: {  	_ =	shalt  }
0x78: {  	_ =	shalt  }
0x79: {  	_ =	shalt  }
0x7a: {  	_ =	shalt  }
0x7b: {  	_ =	shalt  }
0x7c: {  	_ =	shalt  }
0x7d: {  	_ =	shalt  }
0x7e: {  	_ =	shalt  }
0x7f: {  	_ =	shalt  }
0x80: {  	_ =	shalt  }
0x81: {  	_ =	shalt  }
0x82: {  	_ =	shalt  }
0x83: {  	_ =	shalt  }
0x84: {  	_ =	shalt  }
0x85: {  	_ =	shalt  }
0x86: {  	_ =	shalt  }
0x87: {  	_ =	shalt  }
.Lfunc_end0:
.L_simem_size_0:
called_computation.1_lowered:
.L_overlay_start_0:
0x88: {  	s2 =	sld [smem:$0x3FD9]  }
0x89: {  	s3 =	sld [smem:$0x3FFE];
	_ =	sdelay $0x1  }
0x8a: {  	s1 =	srdreg.scid  }
0x8b: {  	s0 =	sand.u32 $0x1, s1  }
0x8c: {  	s17 =	sshll.u32 s0, $0xA;
	s2 =	sadd.s32 s3, s2  }
0x8d: {  	s2 =	sadd.s32 s2, s17  }
0x8e: {  	[smem:$0x3FC0] =	sst s2  }
0x8f: {  	_ = 	snop  }
0x90: {  	s18 =	sld [smem:$0x3FC9];
	(tm) =	ssettm $0x1  }
0x91: {  	s19 =	sld [smem:$0x3FFB];
	_ =	sdelay $0x3  }
0x92: {  	_ =	strace s19  }
0x93: {  	s2 =	sld [smem:$0x3FFC];
	_ =	sdelay $0x3  }
0x94: {  	_ =	strace s2  }
0x95: {  	s2 =	sld [smem:$0x3FFD];
	_ =	sdelay $0x3  }
0x96: {  	_ =	strace s2  }
0x97: {  	_ =	strace $0x8FFFFFFF  }
0x98: {  	s20 =	sld [smem:$0x3FDB];
	_ =	sdelay $0x1  }
0x99: {  	s4 =	simm.s32 $_scs_section_size  }
0x9a: {  	s5 =	simm.s32 $_size__tile_overlayer_lowered;
	s6 =	simm.s32 $_tile_overlayer_lowered  }
0x9b: {  	s7 =	simm.s32 $0x1BFF;
	s21 =	sshll.u32 s6, $0x1;
	s4 =	sadd.s32 s4, s20  }
0x9c: {  	s22 =	simm.s32 $0x0;
	s5 =	sshll.u32 s5, $0x1;
	s6 =	sadd.s32 s21, s4  }
0x9d: {  	[timem:s22], [sflag:s7] =	dma.local [hbm:s6], s5  }
0x9e: {  	_ =	swait.ge [sflag:s7], s5  }
0x9f: {  	s5 =	ssub.s32 $0x0, s5;
	[sflag:s7] =	ssyncset.done $0x0  }
0xa0: {  	[sflag:s7] =	ssyncadd.s32 s5;
	_ =	sdelay $0x1  }
0xa1: {  	s23 =	simm.s32 $0x1B8B  }
0xa2: {  	_ =	swait.ge [sflag:s23], $0x1  }
0xa3: {  	[sflag:s23] =	ssyncset.done $0x0  }
0xa4: {  	[sflag:s23] =	ssyncadd.s32 $0xFFFFFFFF  }
0xa5: {  	s5 =	sld [smem:$0x0]  }
0xa6: {  	s6 =	sand.u32 $0xFFFFFFFE, s1  }
0xa7: {  	p0 =	sne.s32 s1, s6  }
0xa8: {  	s6 =	sshll.u32 @p0 s6, $0xE  }
0xa9: {  	s6 =	sadd.s32 @p0 $0x11B8D, s6;
	s7 =	sshll.u32 @p0 s5, $0x11  }
0xaa: {  	s6 =	sor.u32 @p0 s7, s6  }
0xab: {  	[sflag:s6] =	ssyncadd.remote.s32 @p0 $0x1;
	_ =	sdelay $0x1  }
0xac: {  	s6 =	simm.s32 @p0 $0x1B8D  }
0xad: {  	_ =	swait.eq @p0 [sflag:s6], $0x1  }
0xae: {  	[sflag:s6] =	ssyncadd.s32 @p0 $0xFFFFFFFF  }
0xaf: {  	s7 =	sshll.u32 @!p0 s1, $0xE  }
0xb0: {  	s7 =	sor.u32 @!p0 $0x4000, s7;
	s6 =	simm.s32 @!p0 $0x1B8D  }
0xb1: {  	s5 =	sshll.u32 @!p0 s5, $0x11;
	s7 =	sadd.s32 @!p0 $0x11B8D, s7;
	_ =	swait.eq @!p0 [sflag:s6], $0x1  }
0xb2: {  	s5 =	sor.u32 @!p0 s5, s7;
	[sflag:s6] =	ssyncadd.s32 @!p0 $0xFFFFFFFF  }
0xb3: {  	s25 =	simm.s32 $0x1B8E;
	s24 =	sld [smem:$0x3FFE];
	[sflag:s5] =	ssyncadd.remote.s32 @!p0 $0x1  }
0xb4: {  	s26 =	simm.s32 $execute0_lowered;
	[smem:$0x3FD2] =	sst s25  }
0xb5: {  	s6 =	sshll.u32 s26, $0x1;
	_ =	strace $0x80000049;
	[dreg:$0x1] =	wrdreg $0xFFFFFFFF  }
0xb6: {  	s28 =	simm.s32 $_size_execute0_lowered;
	s4 =	sadd.s32 s4, s6;
	[dreg:$0x0] =	wrdreg $0x0  }
0xb7: {  	s6 =	sshll.u32 s28, $0x1;
	[dreg:$0x2] =	wrdreg s4  }
0xb8: {  	[dreg:$0x3] =	wrdreg s6  }
0xb9: {  	[dreg:$0x4] =	wrdreg $0xC0  }
0xba: {  	_ =	task [dreg:s22], $0x5FFFF  }
0xbb: {  	[dreg:$0x1] =	wrdreg $0xFFFFFFFF  }
0xbc: {  	[dreg:$0x0] =	wrdreg $0x60  }
0xbd: {  	[dreg:$0x2] =	wrdreg s18  }
0xbe: {  	[dreg:$0x3] =	wrdreg s24  }
0xbf: {  	[dreg:$0x4] =	wrdreg $0xA9000  }
0xc0: {  	[dreg:$0x5] =	wrdreg $0xA  }
0xc1: {  	_ =	task.clear_ibuf [dreg:s22], $0x6FFFF;
	_ =	strace $0x90000049  }
0xc2: {  	s29 =	simm.s32 $0xA;
	_ =	strace $0x8000004B  }
0xc3: {  	_ =	swait.ge [sflag:s29], $0x1  }
0xc4: {  	[sflag:s29] =	ssyncadd.s32 $0xFFFFFFFF  }
0xc5: {  	_ =	strace $0x9000004B  }
0xc6: {  	_ =	sfence  }
0xc7: {  	s30 =	sld [smem:$0x0];
	_ =	sdelay $0x2  }
0xc8: {  	s31 =	sshll.u32 s1, $0xD;
	s1 =	sshrl.u32 s1, $0x2  }
0xc9: {  	s4 =	sand.u32 $0x4000, s31;
	s1 =	sadd.s32 s1, s30  }
0xca: {  	s0 =	sor.u32 s4, s0;
	s1 =	sshll.u32 s1, $0x11  }
0xcb: {  	s0 =	sor.u32 s1, s0  }
0xcc: {  	s0 =	sadd.s32 $0x8F2B, s0  }
0xcd: {  	[sflag:s0] =	ssyncadd.remote.s32 $0x1  }
0xce: {  	_ =	sfence.sel $0xFFFF  }
0xcf: {  	[dreg:$0x0] =	wrdreg $0xFFFFFFFF;
	(pc) =	sbr.abs _section_cstart, $3  }
0xd0: {  	[dreg:$0x1] =	wrdreg $0xFFFFFFFF  }
0xd1: {  	_ =	task.clear_ibuf [dreg:s22], $0x2FFFF;
	_ =	strace $0x9FFFFFFF  }
0xd2: {  	(tm) =	ssettm $0x7FFFFFFF  }
0xd3: {  	_ =	shalt  }
tec
execute0_lowered:
.L_overlay_start_1:
0x0: {  	(tag) =	ssettag $0x1  }
0x1: {  	s2 =	srdreg.scid;
	s1 =	rddreg [dreg:$0x0]  }
0x2: {  	s0 =	stileid.u32;
	s6 =	rddreg [dreg:$0x1]  }
0x3: {  	s3 =	rddreg [dreg:$0x2];
	s4 =	simm.s32 $0x0;
	s17 =	simm.s32 $0x2800  }
0x4: {  	s18 =	simm.s32 $0x6900;
	s19 =	simm.s32 $0x2880;
	s5 =	sand.u32 $0x1, s2  }
0x5: {  	s20 =	sshll.u32 s0, $0x1;
	s2 =	rddreg [dreg:$0x3];
	s9 =	smul.u32 $0x14000, s0  }
0x6: {  	[smem:$0x7FF] =	sst s4;
	s12 =	sadd.s32 $0xC200, s6;
	s13 =	smul.u32 $0x50000, s0  }
0x7: {  	s24 =	sshrl.u32 s0, $0x2;
	s26 =	sshll.u32 s0, $0x8;
	s29 =	sshll.u32 s0, $0x6  }
0x8: {  	s7 =	sor.u32 s5, s20;
	s10 =	smul.u32 $0x140000, s5;
	_ =	strace $0x8000004A  }
0x9: {  	s21 =	ssub.s32 $0x2, s5;
	s28 =	sshll.u32 s5, $0x7;
	s20 =	simm.s32 $0x1  }
0xa: {  	s8 =	smul.u32 $0x500, s7;
	s11 =	sshrl.u32 s9, $0x3;
	s22 =	sshrl.u32 s21, $0x1  }
0xb: {  	s23 =	sshrl.u32 s13, $0x2;
	s25 =	sshll.u32 s7, $0x7;
	s7 =	sor.u32 s28, s26  }
0xc: {  	s9 =	sadd.s32 s9, s10;
	s11 =	sadd.s32 s11, s6;
	s15 =	ssub.s32 s21, s22  }
0xd: {  	s13 =	sadd.s32 s23, s3;
	s16 =	sand.u32 $0x380, s7;
	s21 =	simm.s32 $0x3  }
0xe: {  	s22 =	simm.s32 $0x2;
	s23 =	simm.s32 $0x4;
	s8 =	sadd.s32 s8, s6  }
0xf: {  	s9 =	sshrl.u32 s9, $0x3;
	s5 =	sadd.s32 $0x16200, s11;
	s11 =	smax.u32 s15, $0x1  }
0x10: {  	s13 =	sshrl.u32 s13, $0x3;
	s14 =	sadd.s32 s9, s6;
	s9 =	smul.u32 $0x14000, s24  }
0x11: {  	s15 =	simm.s32 $0x80;
	s6 =	sand.u32 $0x380, s25;
	s8 =	sadd.s32 $0x2200, s8  }
0x12: {  	s24 =	simm.s32 $0x0;
	s10 =	sadd.s32 $0x3E200, s14;
	s6 =	sor.u32 s9, s6  }
0x13: {  	s14 =	simm.s32 $0x5;
	s31 =	sor.u32 s16, s9;
	s30 =	sshrl.u32 s6, $0x3  }
0x14: {  	s6 =	sor.u32 $0x1C05, s29;
	s16 =	sshrl.u32 s31, $0x3;
	s7 =	sadd.s32 s12, s30  }
0x15: {  	s12 =	sadd.s32 s16, s12;
	s16 =	simm.s32 $0x2900;
	s9 =	sadd.s32 $0x80, s7  }
.LBB2_1:
0x16: {  	[spmem:s13], [sflag:s6] =	dma.local [hbm:s5], $0x2800  }
0x17: {  	_ =	swait.ge [sflag:s14], $0x2800  }
0x18: {  	[sflag:s14] =	ssyncset.done $0x0  }
0x19: {  	[sflag:s14] =	ssyncadd.s32 $0xFFFFD800  }
0x1a: {  	[tilespmem:s4], [sflag:$0x5] =	stream.linear.gather [hbm4b:s8+s4], $0x2800, $0x38;
	[tilespmem:$0x1E900] =	vst v63  }
0x1b: {  	_ =	swait.ge [sflag:s14], $0x2800  }
0x1c: {  	[sflag:s14] =	ssyncset.done $0x0  }
0x1d: {  	[sflag:s14] =	ssyncadd.s32 $0xFFFFD800  }
0x1e: {  	[bflag:$0x0] =	sbarrier.arrive $0xFFFF  }
0x1f: {  	[tilespmem:s16], [sflag:$0x1] =	stream.indirect.gather [hbm4b:s1+s15], $0x80, s4, s15, $0xb8;
	[tilespmem:$0x1E900] =	vst v63  }
0x20: {  	_ = 	snop  }
0x21: {  	[tilespmem:s17], [sflag:$0x3] =	stream.linear.gather [hbm4b:s7+s4], $0x80, $0x38;
	[tilespmem:$0x1E900] =	vst v63  }
0x22: {  	_ = 	snop  }
0x23: {  	[tilespmem:s18], [sflag:$0x2] =	stream.indirect.gather [hbm4b:s1+s15], $0x80, s15, s15, $0xb8;
	[tilespmem:$0x1E900] =	vst v63  }
0x24: {  	_ = 	snop  }
0x25: {  	[tilespmem:s19], [sflag:$0x4] =	stream.linear.gather [hbm4b:s9+s4], $0x80, $0x38;
	[tilespmem:$0x1E900] =	vst v63  }
0x26: {  	_ =	swait.ge [sflag:s20], $0x4000  }
0x27: {  	[sflag:s20] =	ssyncset.done $0x0  }
0x28: {  	[sflag:s20] =	ssyncadd.s32 $0xFFFFC000  }
0x29: {  	_ =	swait.ge [sflag:s21], $0x80  }
0x2a: {  	[sflag:s21] =	ssyncset.done $0x0  }
0x2b: {  	[sflag:s21] =	ssyncadd.s32 $0xFFFFFF80  }
0x2c: {  	[spmem:s3] =	stream.indirect.scatter.add.f32 [tilespmem:s16], [sflag:$0x5], $0x80, s17, s15, $0xb8;
	[tilespmem:$0x1E900] =	vst v63  }
0x2d: {  	_ =	swait.ge [sflag:s14], $0x4000  }
0x2e: {  	[sflag:s14] =	ssyncset.done $0x0  }
0x2f: {  	s25 =	simm.s32 $0x100;
	s26 =	sadd.s32 $0xFFFFD900, s12;
	[sflag:s14] =	ssyncadd.s32 $0xFFFFC000  }
0x30: {  	[tilespmem:s16], [sflag:$0x1] =	stream.indirect.gather [hbm4b:s1+s15], $0x80, s25, s15, $0xb8;
	[tilespmem:$0x1E900] =	vst v63  }
0x31: {  	s30 =	sadd.s32 $0x2800, s26  }
0x32: {  	[tilespmem:s17], [sflag:$0x3] =	stream.linear.gather [hbm4b:s30+s4], $0x80, $0x38;
	[tilespmem:$0x1E900] =	vst v63  }
0x33: {  	_ =	swait.ge [sflag:s22], $0x4000  }
0x34: {  	[sflag:s22] =	ssyncset.done $0x0  }
0x35: {  	[sflag:s22] =	ssyncadd.s32 $0xFFFFC000  }
0x36: {  	_ =	swait.ge [sflag:s23], $0x80  }
0x37: {  	[sflag:s23] =	ssyncset.done $0x0  }
0x38: {  	[sflag:s23] =	ssyncadd.s32 $0xFFFFFF80  }
0x39: {  	[spmem:s3] =	stream.indirect.scatter.add.f32 [tilespmem:s18], [sflag:$0x5], $0x80, s19, s15, $0xb8;
	[tilespmem:$0x1E900] =	vst v63  }
0x3a: {  	_ =	swait.ge [sflag:s14], $0x4000  }
0x3b: {  	s31 =	simm.s32 $0x180;
	s28 =	sadd.s32 $0x2880, s26;
	[sflag:s14] =	ssyncset.done $0x0  }
0x3c: {  	s26 =	simm.s32 $0x280;
	s25 =	simm.s32 $0xFFFFDA00;
	[sflag:s14] =	ssyncadd.s32 $0xFFFFC000  }
0x3d: {  	[tilespmem:s18], [sflag:$0x2] =	stream.indirect.gather [hbm4b:s1+s15], $0x80, s31, s15, $0xb8;
	[tilespmem:$0x1E900] =	vst v63  }
.LBB2_2:
0x3e: {  	[tilespmem:s19], [sflag:$0x4] =	stream.linear.gather [hbm4b:s28+s4], $0x80, $0x38;
	[tilespmem:$0x1E900] =	vst v63  }
0x3f: {  	s28 =	smov.u32 s25  }
0x40: {  	p0 =	sne.s32 s25, $0xFFFFFF00;
	s25 =	sadd.s32 $0x100, s25;
	_ =	swait.ge [sflag:s20], $0x4000  }
0x41: {  	[sflag:s20] =	ssyncset.done $0x0  }
0x42: {  	[sflag:s20] =	ssyncadd.s32 $0xFFFFC000  }
0x43: {  	_ =	swait.ge [sflag:s21], $0x80  }
0x44: {  	[sflag:s21] =	ssyncset.done $0x0  }
0x45: {  	[sflag:s21] =	ssyncadd.s32 $0xFFFFFF80  }
0x46: {  	[spmem:s3] =	stream.indirect.scatter.add.f32 [tilespmem:s16], [sflag:$0x5], $0x80, s17, s15, $0xb8;
	[tilespmem:$0x1E900] =	vst v63  }
0x47: {  	_ =	swait.ge [sflag:s14], $0x4000  }
0x48: {  	[sflag:s14] =	ssyncset.done $0x0  }
0x49: {  	s29 =	sadd.s32 $0xFFFFFF80, s26;
	s28 =	sadd.s32 s28, s12;
	[sflag:s14] =	ssyncadd.s32 $0xFFFFC000  }
0x4a: {  	[tilespmem:s16], [sflag:$0x1] =	stream.indirect.gather [hbm4b:s1+s15], $0x80, s29, s15, $0xb8;
	[tilespmem:$0x1E900] =	vst v63  }
0x4b: {  	s29 =	sadd.s32 $0x2800, s28  }
0x4c: {  	[tilespmem:s17], [sflag:$0x3] =	stream.linear.gather [hbm4b:s29+s4], $0x80, $0x38;
	[tilespmem:$0x1E900] =	vst v63  }
0x4d: {  	_ =	swait.ge [sflag:s22], $0x4000  }
0x4e: {  	[sflag:s22] =	ssyncset.done $0x0  }
0x4f: {  	[sflag:s22] =	ssyncadd.s32 $0xFFFFC000  }
0x50: {  	_ =	swait.ge [sflag:s23], $0x80  }
0x51: {  	[sflag:s23] =	ssyncset.done $0x0  }
0x52: {  	[sflag:s23] =	ssyncadd.s32 $0xFFFFFF80  }
0x53: {  	[spmem:s3] =	stream.indirect.scatter.add.f32 [tilespmem:s18], [sflag:$0x5], $0x80, s19, s15, $0xb8;
	[tilespmem:$0x1E900] =	vst v63  }
.Ltmp0:
0x54: {  	_ =	swait.ge [sflag:s14], $0x4000;
	(pc) =	sbr.rel @p0 .LBB2_2-.Ltmp0, $4  }
0x55: {  	[sflag:s14] =	ssyncset.done $0x0  }
0x56: {  	[sflag:s14] =	ssyncadd.s32 $0xFFFFC000  }
0x57: {  	[tilespmem:s18], [sflag:$0x2] =	stream.indirect.gather [hbm4b:s1+s15], $0x80, s26, s15, $0xb8;
	[tilespmem:$0x1E900] =	vst v63  }
0x58: {  	s28 =	sadd.s32 $0x2880, s28;
	s26 =	sadd.s32 $0x100, s26  }
0x59: {  	[tilespmem:s19], [sflag:$0x4] =	stream.linear.gather [hbm4b:s28+s4], $0x80, $0x38;
	[tilespmem:$0x1E900] =	vst v63  }
0x5a: {  	_ =	swait.ge [sflag:s20], $0x4000  }
0x5b: {  	[sflag:s20] =	ssyncset.done $0x0  }
0x5c: {  	[sflag:s20] =	ssyncadd.s32 $0xFFFFC000  }
0x5d: {  	_ =	swait.ge [sflag:s21], $0x80  }
0x5e: {  	[sflag:s21] =	ssyncset.done $0x0  }
0x5f: {  	[sflag:s21] =	ssyncadd.s32 $0xFFFFFF80  }
0x60: {  	[spmem:s3] =	stream.indirect.scatter.add.f32 [tilespmem:s16], [sflag:$0x5], $0x80, s17, s15, $0xb8;
	[tilespmem:$0x1E900] =	vst v63  }
0x61: {  	_ =	swait.ge [sflag:s14], $0x4000  }
0x62: {  	[sflag:s14] =	ssyncset.done $0x0  }
0x63: {  	[sflag:s14] =	ssyncadd.s32 $0xFFFFC000  }
0x64: {  	_ =	swait.ge [sflag:s22], $0x4000  }
0x65: {  	[sflag:s22] =	ssyncset.done $0x0  }
0x66: {  	[sflag:s22] =	ssyncadd.s32 $0xFFFFC000  }
0x67: {  	_ =	swait.ge [sflag:s23], $0x80  }
0x68: {  	[sflag:s23] =	ssyncset.done $0x0  }
0x69: {  	[sflag:s23] =	ssyncadd.s32 $0xFFFFFF80  }
0x6a: {  	[spmem:s3] =	stream.indirect.scatter.add.f32 [tilespmem:s18], [sflag:$0x5], $0x80, s19, s15, $0xb8;
	[tilespmem:$0x1E900] =	vst v63  }
0x6b: {  	_ =	swait.ge [sflag:s14], $0x4000  }
0x6c: {  	s24 =	sadd.s32 $0x1, s24;
	[sflag:s14] =	ssyncset.done $0x0  }
0x6d: {  	p0 =	sne.s32 s24, s11;
	[sflag:s14] =	ssyncadd.s32 $0xFFFFC000  }
.Ltmp1:
0x6e: {  	[bflag:$0x0] =	sbarrier.arrive $0xFFFF;
	(pc) =	sbr.rel @p0 .LBB2_1-.Ltmp1, $4  }
0x6f: {  	[hbm:s10], [sflag:s6] =	dma.local [spmem:s13], $0x2800  }
0x70: {  	_ =	swait.ge [sflag:s14], $0x2800  }
0x71: {  	[sflag:s14] =	ssyncset.done $0x0  }
0x72: {  	[sflag:s14] =	ssyncadd.s32 $0xFFFFD800  }
0x73: {  	_ =	sfence.sel $0x180000  }
0x74: {  	[bflag:$0x0] =	sbarrier.arrive $0xFFFF  }
0x75: {  	p0 =	sne.s32 s0, $0x0;
	_ =	strace $0x9000004A  }
0x76: {  	s0 =	sadd.s32 @!p0 $0x100000, s2;
	[bflag:$0x2] =	sbarrier.arrive $0xFFFF  }
0x77: {  	[sflag:s0] =	ssyncadd.tile.s32 @!p0 $0x1;
	_ =	shalt  }
.Lfunc_end2:
_tile_overlayer_lowered:
.L_overlay_start_2:
0x78: {  	(tag) =	ssettag $0x2  }
0x79: {  	s0 =	rddreg [dreg:$0x0];
	s2 =	stileid.u32  }
0x7a: {  	s1 =	rddreg [dreg:$0x1];
	p0 =	sne.s32 s2, $0x0  }
0x7b: {  	s3 =	rddreg [dreg:$0x2];
	[bflag:$0x3] =	sbarrier.arrive $0xFFFF;
	s2 =	simm.s32 @!p0 $0x1C05  }
0x7c: {  	[timem:s3], [sflag:s2] =	dma.local @!p0 [hbm:s0], s1  }
0x7d: {  	s0 =	simm.s32 @!p0 $0x5  }
0x7e: {  	_ =	swait.ge @!p0 [sflag:s0], s1  }
0x7f: {  	s1 =	ssub.s32 @!p0 $0x0, s1;
	[sflag:s0] =	ssyncset.done @!p0 $0x0  }
0x80: {  	[sflag:s0] =	ssyncadd.s32 @!p0 s1  }
0x81: {  	[bflag:$0x3] =	sbarrier.arrive $0xFFFF  }
0x82: {  	_ =	shalt  }

// kernel: kernel.15.cloned.1.call-start
scs
__scs_entry_jumppad:
0x0: {  	(pc) =	sbr.rel $0x88, $3  }
0x1: {  	(tag) =	ssettag $0x0;
	lr =	simm.s32 $0x1  }
0x2: {  	[smem:$0x3F99] =	sst lr;
	_ =	strace $0xD0000000  }
0x3: {  	_ = 	snop  }
0x4: {  	_ = 	snop  }
0x5: {  	_ = 	snop  }
0x6: {  	_ = 	snop  }
0x7: {  	_ = 	snop  }
__scs_overlays_trampoline_lowered:
0x8: {  	[smem:$0x3FA8] =	sst s0  }
0x9: {  	[smem:$0x3FA9] =	sst s1  }
0xa: {  	[smem:$0x3FAA] =	sst s2  }
0xb: {  	[smem:$0x3FAB] =	sst s3  }
0xc: {  	[smem:$0x3FAC] =	sst s4  }
0xd: {  	[smem:$0x3FAD] =	sst s5  }
0xe: {  	[smem:$0x3FAE] =	sst s6  }
0xf: {  	[smem:$0x3FAF] =	sst s7  }
0x10: {  	[smem:$0x3FB0] =	sst s8  }
0x11: {  	[smem:$0x3FB1] =	sst s9;
	s0 =	simm.s32 @!p0 $0x0  }
0x12: {  	s1 =	sld [smem:$0x3F97];
	s0 =	simm.s32 @p0 $0x1  }
0x13: {  	[smem:$0x3FB2] =	sst s0;
	s0 =	simm.s32 @!p1 $0x0  }
0x14: {  	s2 =	sld [smem:$0x3F96];
	s0 =	simm.s32 @p1 $0x1  }
0x15: {  	[smem:$0x3FB3] =	sst s0;
	s0 =	simm.s32 @!p2 $0x0  }
0x16: {  	s3 =	sld [smem:$0x3FDB];
	s0 =	simm.s32 @p2 $0x1  }
0x17: {  	s4 =	simm.s32 $0x1BF5;
	[smem:$0x3FB5] =	sst s0  }
0x18: {  	s0 =	sld [smem:$0x3F98];
	_ =	swait.ge [sflag:s4], $0x0  }
0x19: {  	s7 =	sld [smem:$0x3F99]  }
0x1a: {  	s8 =	sadd.s32 $0xFFFFE003, lr  }
0x1b: {  	s9 =	sadd.s32 $0xFFFFFEF7, lr;
	s5 =	simm.s32 $0xFFFFFFFF;
	p2 =	slt.u32 s8, $0xFFFFF086  }
0x1c: {  	p1 =	slt.u32 s9, $0xF7A;
	s5 =	simm.s32 @!p2 $0x0  }
0x1d: {  	s5 =	simm.s32 @p1 $0x1;
	p0 =	seq.s32 s7, s2  }
0x1e: {  	s7 =	smul.u32 @!p0 $0xF7A, s2;
	p2 =	seq.s32 @!p0 s5, $0x0  }
0x1f: {  	s9 =	smul.u32 $0xF7A, s1;
	s8 =	simm.s32 @!p0 $0x1BF5;
	p2 =	por !p2, p0  }
0x20: {  	[sflag:s8] =	ssyncset.s32 @!p0 $0xFFFFF086;
	s6 =	sadd.s32 @!p0 s3, s7;
	s7 =	simm.s32 @!p0 $0x108  }
0x21: {  	s3 =	sadd.s32 s3, s9;
	s6 =	sadd.s32 @!p0 $0x88, s6;
	s7 =	simm.s32 @p2 $0x1082  }
0x22: {  	[simem:s7], [sflag:s8] =	dma.local @!p0 [hbm:s6], $0xF7A  }
0x23: {  	s9 =	sor.u32 $0xD0000000, s2;
	s6 =	simm.s32 $0x108;
	_ =	swait.ge @!p0 [sflag:s8], $0x0  }
0x24: {  	s3 =	sadd.s32 $0x88, s3;
	s6 =	simm.s32 @!p1 $0x1082;
	[sflag:s4] =	ssyncset.s32 $0xFFFFF086  }
0x25: {  	[simem:s6], [sflag:s4] =	dma.local [hbm:s3], $0xF7A  }
0x26: {  	[smem:$0x3F99] =	sst s1;
	(tag) =	ssettag s2;
	_ =	strace s9  }
0x27: {  	s1 =	sld [smem:$0x3FA9]  }
0x28: {  	s2 =	sld [smem:$0x3FAA]  }
0x29: {  	s4 =	sld [smem:$0x3FAC]  }
0x2a: {  	p0 =	seq.s32 s5, $0x0;
	s5 =	sld [smem:$0x3FAD]  }
0x2b: {  	s6 =	sld [smem:$0x3FAE]  }
0x2c: {  	s7 =	sld [smem:$0x3FAF]  }
0x2d: {  	s3 =	simm.s32 $0x108;
	s8 =	sld [smem:$0x3FB0]  }
0x2e: {  	s3 =	simm.s32 @!p0 $0x1082;
	s9 =	sld [smem:$0x3FB1]  }
0x2f: {  	lr =	sadd.s32 s0, s3;
	s0 =	sld [smem:$0x3FA8]  }
0x30: {  	s3 =	sld [smem:$0x3FAB]  }
0x31: {  	[smem:$0x3FB4] =	sst s10  }
0x32: {  	s10 =	sld [smem:$0x3FB2];
	_ =	sdelay $0x3  }
0x33: {  	p0 =	seq.s32 s10, $0x1;
	s10 =	sld [smem:$0x3FB4];
	_ =	sdelay $0x3  }
0x34: {  	[smem:$0x3FB4] =	sst s10  }
0x35: {  	s10 =	sld [smem:$0x3FB3];
	_ =	sdelay $0x3  }
0x36: {  	p1 =	seq.s32 s10, $0x1;
	s10 =	sld [smem:$0x3FB4];
	_ =	sdelay $0x3  }
0x37: {  	[smem:$0x3FB4] =	sst s10  }
0x38: {  	s10 =	sld [smem:$0x3FB5]  }
0x39: {  	_ = 	snop;
	(pc) =	sbr.ind lr, $3  }
0x3a: {  	_ = 	snop  }
0x3b: {  	_ = 	snop  }
0x3c: {  	p2 =	seq.s32 s10, $0x1;
	s10 =	sld [smem:$0x3FB4]  }
0x3d: {  	_ =	shalt  }
0x3e: {  	_ =	shalt  }
0x3f: {  	_ =	shalt  }
0x40: {  	_ =	shalt  }
0x41: {  	_ =	shalt  }
0x42: {  	_ =	shalt  }
0x43: {  	_ =	shalt  }
0x44: {  	_ =	shalt  }
0x45: {  	_ =	shalt  }
0x46: {  	_ =	shalt  }
0x47: {  	_ =	shalt  }
0x48: {  	_ =	shalt  }
0x49: {  	_ =	shalt  }
0x4a: {  	_ =	shalt  }
0x4b: {  	_ =	shalt  }
0x4c: {  	_ =	shalt  }
0x4d: {  	_ =	shalt  }
0x4e: {  	_ =	shalt  }
0x4f: {  	_ =	shalt  }
0x50: {  	_ =	shalt  }
0x51: {  	_ =	shalt  }
0x52: {  	_ =	shalt  }
0x53: {  	_ =	shalt  }
0x54: {  	_ =	shalt  }
0x55: {  	_ =	shalt  }
0x56: {  	_ =	shalt  }
0x57: {  	_ =	shalt  }
0x58: {  	_ =	shalt  }
0x59: {  	_ =	shalt  }
0x5a: {  	_ =	shalt  }
0x5b: {  	_ =	shalt  }
0x5c: {  	_ =	shalt  }
0x5d: {  	_ =	shalt  }
0x5e: {  	_ =	shalt  }
0x5f: {  	_ =	shalt  }
0x60: {  	_ =	shalt  }
0x61: {  	_ =	shalt  }
0x62: {  	_ =	shalt  }
0x63: {  	_ =	shalt  }
0x64: {  	_ =	shalt  }
0x65: {  	_ =	shalt  }
0x66: {  	_ =	shalt  }
0x67: {  	_ =	shalt  }
0x68: {  	_ =	shalt  }
0x69: {  	_ =	shalt  }
0x6a: {  	_ =	shalt  }
0x6b: {  	_ =	shalt  }
0x6c: {  	_ =	shalt  }
0x6d: {  	_ =	shalt  }
0x6e: {  	_ =	shalt  }
0x6f: {  	_ =	shalt  }
0x70: {  	_ =	shalt  }
0x71: {  	_ =	shalt  }
0x72: {  	_ =	shalt  }
0x73: {  	_ =	shalt  }
0x74: {  	_ =	shalt  }
0x75: {  	_ =	shalt  }
0x76: {  	_ =	shalt  }
0x77: {  	_ =	shalt  }
0x78: {  	_ =	shalt  }
0x79: {  	_ =	shalt  }
0x7a: {  	_ =	shalt  }
0x7b: {  	_ =	shalt  }
0x7c: {  	_ =	shalt  }
0x7d: {  	_ =	shalt  }
0x7e: {  	_ =	shalt  }
0x7f: {  	_ =	shalt  }
0x80: {  	_ =	shalt  }
0x81: {  	_ =	shalt  }
0x82: {  	_ =	shalt  }
0x83: {  	_ =	shalt  }
0x84: {  	_ =	shalt  }
0x85: {  	_ =	shalt  }
0x86: {  	_ =	shalt  }
0x87: {  	_ =	shalt  }
.Lfunc_end0:
.L_simem_size_0:
called_computation.2_lowered:
.L_overlay_start_0:
0x88: {  	s2 =	sld [smem:$0x3FD9]  }
0x89: {  	s3 =	sld [smem:$0x3FFE];
	_ =	sdelay $0x1  }
0x8a: {  	s1 =	srdreg.scid  }
0x8b: {  	s0 =	sand.u32 $0x1, s1  }
0x8c: {  	s17 =	sshll.u32 s0, $0xA;
	s2 =	sadd.s32 s3, s2  }
0x8d: {  	s2 =	sadd.s32 s2, s17  }
0x8e: {  	[smem:$0x3FC0] =	sst s2  }
0x8f: {  	_ = 	snop  }
0x90: {  	s2 =	sld [smem:$0x3FD0];
	(tm) =	ssettm $0x1  }
0x91: {  	s18 =	sld [smem:$0x3FFB];
	_ =	sdelay $0x3  }
0x92: {  	_ =	strace s18  }
0x93: {  	s3 =	sld [smem:$0x3FFC];
	_ =	sdelay $0x3  }
0x94: {  	_ =	strace s3  }
0x95: {  	s3 =	sld [smem:$0x3FFD];
	_ =	sdelay $0x3  }
0x96: {  	_ =	strace s3  }
0x97: {  	_ =	strace $0x8FFFFFFF  }
0x98: {  	s19 =	sld [smem:$0x3FDB];
	_ =	sdelay $0x1  }
0x99: {  	s4 =	simm.s32 $_scs_section_size  }
0x9a: {  	s5 =	simm.s32 $_size__tile_overlayer_lowered;
	s6 =	simm.s32 $_tile_overlayer_lowered  }
0x9b: {  	s22 =	simm.s32 $0x1BFF;
	s21 =	sshll.u32 s6, $0x1;
	s3 =	sadd.s32 s4, s19  }
0x9c: {  	s7 =	simm.s32 $0x0;
	s20 =	sshll.u32 s5, $0x1;
	s5 =	sadd.s32 s21, s3  }
0x9d: {  	[timem:s7], [sflag:s22] =	dma.local [hbm:s5], s20  }
0x9e: {  	_ =	swait.ge [sflag:s22], s20  }
0x9f: {  	s4 =	ssub.s32 $0x0, s20;
	[sflag:s22] =	ssyncset.done $0x0  }
0xa0: {  	[sflag:s22] =	ssyncadd.s32 s4;
	_ =	sdelay $0x1  }
0xa1: {  	s23 =	simm.s32 $0x1B8B  }
0xa2: {  	_ =	swait.ge [sflag:s23], $0x1  }
0xa3: {  	[sflag:s23] =	ssyncset.done $0x0  }
0xa4: {  	s25 =	simm.s32 $0x1B8E;
	s24 =	sld [smem:$0x3FFE];
	[sflag:s23] =	ssyncadd.s32 $0xFFFFFFFF  }
0xa5: {  	s26 =	simm.s32 $execute0_lowered;
	[smem:$0x3FD2] =	sst s25  }
0xa6: {  	s5 =	sshll.u32 s26, $0x1;
	_ =	strace $0x8000004C;
	[dreg:$0x1] =	wrdreg $0xFFFFFFFF  }
0xa7: {  	s28 =	simm.s32 $_size_execute0_lowered;
	s3 =	sadd.s32 s3, s5;
	[dreg:$0x0] =	wrdreg $0x0  }
0xa8: {  	s5 =	sshll.u32 s28, $0x1;
	[dreg:$0x2] =	wrdreg s3  }
0xa9: {  	[dreg:$0x3] =	wrdreg s5  }
0xaa: {  	[dreg:$0x4] =	wrdreg $0xC0  }
0xab: {  	_ =	task [dreg:s7], $0x5FFFF  }
0xac: {  	[dreg:$0x1] =	wrdreg $0xFFFFFFFF  }
0xad: {  	[dreg:$0x0] =	wrdreg $0x60  }
0xae: {  	[dreg:$0x2] =	wrdreg s2  }
0xaf: {  	[dreg:$0x3] =	wrdreg s24  }
0xb0: {  	[dreg:$0x4] =	wrdreg $0xA9000  }
0xb1: {  	[dreg:$0x5] =	wrdreg $0x9  }
0xb2: {  	_ =	task.clear_ibuf [dreg:s7], $0x6FFFF;
	_ =	strace $0x9000004C  }
0xb3: {  	s29 =	simm.s32 $0x9;
	_ =	strace $0x8000004E  }
0xb4: {  	_ =	swait.ge [sflag:s29], $0x1  }
0xb5: {  	[sflag:s29] =	ssyncadd.s32 $0xFFFFFFFF  }
0xb6: {  	_ =	strace $0x9000004E  }
0xb7: {  	_ =	sfence  }
0xb8: {  	s30 =	sld [smem:$0x0];
	_ =	sdelay $0x2  }
0xb9: {  	s31 =	sshll.u32 s1, $0xD;
	s1 =	sshrl.u32 s1, $0x2  }
0xba: {  	s3 =	sand.u32 $0x4000, s31;
	s1 =	sadd.s32 s1, s30  }
0xbb: {  	s0 =	sor.u32 s3, s0;
	s1 =	sshll.u32 s1, $0x11  }
0xbc: {  	s0 =	sor.u32 s1, s0  }
0xbd: {  	s0 =	sadd.s32 $0x8F2B, s0  }
0xbe: {  	[sflag:s0] =	ssyncadd.remote.s32 $0x1  }
0xbf: {  	_ =	sfence.sel $0xFFFF  }
0xc0: {  	[dreg:$0x0] =	wrdreg $0xFFFFFFFF;
	(pc) =	sbr.abs _section_cstart, $3  }
0xc1: {  	[dreg:$0x1] =	wrdreg $0xFFFFFFFF  }
0xc2: {  	_ =	task.clear_ibuf [dreg:s7], $0x2FFFF;
	_ =	strace $0x9FFFFFFF  }
0xc3: {  	(tm) =	ssettm $0x7FFFFFFF  }
tec
execute0_lowered:
.L_overlay_start_1:
0x0: {  	(tag) =	ssettag $0x1  }
0x1: {  	s2 =	srdreg.scid;
	s1 =	rddreg [dreg:$0x0]  }
0x2: {  	s0 =	stileid.u32;
	s6 =	rddreg [dreg:$0x1]  }
0x3: {  	s3 =	rddreg [dreg:$0x2];
	s4 =	simm.s32 $0x0;
	s17 =	simm.s32 $0x2800  }
0x4: {  	s18 =	simm.s32 $0x6900;
	s19 =	simm.s32 $0x2880;
	s5 =	sand.u32 $0x1, s2  }
0x5: {  	s20 =	sshll.u32 s0, $0x1;
	s2 =	rddreg [dreg:$0x3];
	s9 =	smul.u32 $0x14000, s0  }
0x6: {  	[smem:$0x7FF] =	sst s4;
	s12 =	sadd.s32 $0xC200, s6;
	s13 =	smul.u32 $0x50000, s0  }
0x7: {  	s24 =	sshrl.u32 s0, $0x2;
	s26 =	sshll.u32 s0, $0x8;
	s29 =	sshll.u32 s0, $0x6  }
0x8: {  	s7 =	sor.u32 s5, s20;
	s10 =	smul.u32 $0x140000, s5;
	_ =	strace $0x8000004D  }
0x9: {  	s21 =	ssub.s32 $0x2, s5;
	s28 =	sshll.u32 s5, $0x7;
	s20 =	simm.s32 $0x1  }
0xa: {  	s8 =	smul.u32 $0x500, s7;
	s11 =	sshrl.u32 s9, $0x3;
	s22 =	sshrl.u32 s21, $0x1  }
0xb: {  	s23 =	sshrl.u32 s13, $0x2;
	s25 =	sshll.u32 s7, $0x7;
	s7 =	sor.u32 s28, s26  }
0xc: {  	s9 =	sadd.s32 s9, s10;
	s11 =	sadd.s32 s11, s6;
	s15 =	ssub.s32 s21, s22  }
0xd: {  	s13 =	sadd.s32 s23, s3;
	s16 =	sand.u32 $0x380, s7;
	s21 =	simm.s32 $0x3  }
0xe: {  	s22 =	simm.s32 $0x2;
	s23 =	simm.s32 $0x4;
	s8 =	sadd.s32 s8, s6  }
0xf: {  	s9 =	sshrl.u32 s9, $0x3;
	s5 =	sadd.s32 $0x16200, s11;
	s11 =	smax.u32 s15, $0x1  }
0x10: {  	s13 =	sshrl.u32 s13, $0x3;
	s14 =	sadd.s32 s9, s6;
	s9 =	smul.u32 $0x14000, s24  }
0x11: {  	s15 =	simm.s32 $0x80;
	s6 =	sand.u32 $0x380, s25;
	s8 =	sadd.s32 $0x2200, s8  }
0x12: {  	s24 =	simm.s32 $0x0;
	s10 =	sadd.s32 $0x3E200, s14;
	s6 =	sor.u32 s9, s6  }
0x13: {  	s14 =	simm.s32 $0x5;
	s31 =	sor.u32 s16, s9;
	s30 =	sshrl.u32 s6, $0x3  }
0x14: {  	s6 =	sor.u32 $0x1C05, s29;
	s16 =	sshrl.u32 s31, $0x3;
	s7 =	sadd.s32 s12, s30  }
0x15: {  	s12 =	sadd.s32 s16, s12;
	s16 =	simm.s32 $0x2900;
	s9 =	sadd.s32 $0x80, s7  }
.LBB2_1:
0x16: {  	[spmem:s13], [sflag:s6] =	dma.local [hbm:s5], $0x2800  }
0x17: {  	_ =	swait.ge [sflag:s14], $0x2800  }
0x18: {  	[sflag:s14] =	ssyncset.done $0x0  }
0x19: {  	[sflag:s14] =	ssyncadd.s32 $0xFFFFD800  }
0x1a: {  	[tilespmem:s4], [sflag:$0x5] =	stream.linear.gather [hbm4b:s8+s4], $0x2800, $0x38;
	[tilespmem:$0x1E900] =	vst v63  }
0x1b: {  	_ =	swait.ge [sflag:s14], $0x2800  }
0x1c: {  	[sflag:s14] =	ssyncset.done $0x0  }
0x1d: {  	[sflag:s14] =	ssyncadd.s32 $0xFFFFD800  }
0x1e: {  	[bflag:$0x0] =	sbarrier.arrive $0xFFFF  }
0x1f: {  	[tilespmem:s16], [sflag:$0x1] =	stream.indirect.gather [hbm4b:s1+s15], $0x80, s4, s15, $0xb8;
	[tilespmem:$0x1E900] =	vst v63  }
0x20: {  	_ = 	snop  }
0x21: {  	[tilespmem:s17], [sflag:$0x3] =	stream.linear.gather [hbm4b:s7+s4], $0x80, $0x38;
	[tilespmem:$0x1E900] =	vst v63  }
0x22: {  	_ = 	snop  }
0x23: {  	[tilespmem:s18], [sflag:$0x2] =	stream.indirect.gather [hbm4b:s1+s15], $0x80, s15, s15, $0xb8;
	[tilespmem:$0x1E900] =	vst v63  }
0x24: {  	_ = 	snop  }
0x25: {  	[tilespmem:s19], [sflag:$0x4] =	stream.linear.gather [hbm4b:s9+s4], $0x80, $0x38;
	[tilespmem:$0x1E900] =	vst v63  }
0x26: {  	_ =	swait.ge [sflag:s20], $0x4000  }
0x27: {  	[sflag:s20] =	ssyncset.done $0x0  }
0x28: {  	[sflag:s20] =	ssyncadd.s32 $0xFFFFC000  }
0x29: {  	_ =	swait.ge [sflag:s21], $0x80  }
0x2a: {  	[sflag:s21] =	ssyncset.done $0x0  }
0x2b: {  	[sflag:s21] =	ssyncadd.s32 $0xFFFFFF80  }
0x2c: {  	[spmem:s3] =	stream.indirect.scatter.add.f32 [tilespmem:s16], [sflag:$0x5], $0x80, s17, s15, $0xb8;
	[tilespmem:$0x1E900] =	vst v63  }
0x2d: {  	_ =	swait.ge [sflag:s14], $0x4000  }
0x2e: {  	[sflag:s14] =	ssyncset.done $0x0  }
0x2f: {  	s25 =	simm.s32 $0x100;
	s26 =	sadd.s32 $0xFFFFD900, s12;
	[sflag:s14] =	ssyncadd.s32 $0xFFFFC000  }
0x30: {  	[tilespmem:s16], [sflag:$0x1] =	stream.indirect.gather [hbm4b:s1+s15], $0x80, s25, s15, $0xb8;
	[tilespmem:$0x1E900] =	vst v63  }
0x31: {  	s30 =	sadd.s32 $0x2800, s26  }
0x32: {  	[tilespmem:s17], [sflag:$0x3] =	stream.linear.gather [hbm4b:s30+s4], $0x80, $0x38;
	[tilespmem:$0x1E900] =	vst v63  }
0x33: {  	_ =	swait.ge [sflag:s22], $0x4000  }
0x34: {  	[sflag:s22] =	ssyncset.done $0x0  }
0x35: {  	[sflag:s22] =	ssyncadd.s32 $0xFFFFC000  }
0x36: {  	_ =	swait.ge [sflag:s23], $0x80  }
0x37: {  	[sflag:s23] =	ssyncset.done $0x0  }
0x38: {  	[sflag:s23] =	ssyncadd.s32 $0xFFFFFF80  }
0x39: {  	[spmem:s3] =	stream.indirect.scatter.add.f32 [tilespmem:s18], [sflag:$0x5], $0x80, s19, s15, $0xb8;
	[tilespmem:$0x1E900] =	vst v63  }
0x3a: {  	_ =	swait.ge [sflag:s14], $0x4000  }
0x3b: {  	s31 =	simm.s32 $0x180;
	s28 =	sadd.s32 $0x2880, s26;
	[sflag:s14] =	ssyncset.done $0x0  }
0x3c: {  	s26 =	simm.s32 $0x280;
	s25 =	simm.s32 $0xFFFFDA00;
	[sflag:s14] =	ssyncadd.s32 $0xFFFFC000  }
0x3d: {  	[tilespmem:s18], [sflag:$0x2] =	stream.indirect.gather [hbm4b:s1+s15], $0x80, s31, s15, $0xb8;
	[tilespmem:$0x1E900] =	vst v63  }
.LBB2_2:
0x3e: {  	[tilespmem:s19], [sflag:$0x4] =	stream.linear.gather [hbm4b:s28+s4], $0x80, $0x38;
	[tilespmem:$0x1E900] =	vst v63  }
0x3f: {  	s28 =	smov.u32 s25  }
0x40: {  	p0 =	sne.s32 s25, $0xFFFFFF00;
	s25 =	sadd.s32 $0x100, s25;
	_ =	swait.ge [sflag:s20], $0x4000  }
0x41: {  	[sflag:s20] =	ssyncset.done $0x0  }
0x42: {  	[sflag:s20] =	ssyncadd.s32 $0xFFFFC000  }
0x43: {  	_ =	swait.ge [sflag:s21], $0x80  }
0x44: {  	[sflag:s21] =	ssyncset.done $0x0  }
0x45: {  	[sflag:s21] =	ssyncadd.s32 $0xFFFFFF80  }
0x46: {  	[spmem:s3] =	stream.indirect.scatter.add.f32 [tilespmem:s16], [sflag:$0x5], $0x80, s17, s15, $0xb8;
	[tilespmem:$0x1E900] =	vst v63  }
0x47: {  	_ =	swait.ge [sflag:s14], $0x4000  }
0x48: {  	[sflag:s14] =	ssyncset.done $0x0  }
0x49: {  	s29 =	sadd.s32 $0xFFFFFF80, s26;
	s28 =	sadd.s32 s28, s12;
	[sflag:s14] =	ssyncadd.s32 $0xFFFFC000  }
0x4a: {  	[tilespmem:s16], [sflag:$0x1] =	stream.indirect.gather [hbm4b:s1+s15], $0x80, s29, s15, $0xb8;
	[tilespmem:$0x1E900] =	vst v63  }
0x4b: {  	s29 =	sadd.s32 $0x2800, s28  }
0x4c: {  	[tilespmem:s17], [sflag:$0x3] =	stream.linear.gather [hbm4b:s29+s4], $0x80, $0x38;
	[tilespmem:$0x1E900] =	vst v63  }
0x4d: {  	_ =	swait.ge [sflag:s22], $0x4000  }
0x4e: {  	[sflag:s22] =	ssyncset.done $0x0  }
0x4f: {  	[sflag:s22] =	ssyncadd.s32 $0xFFFFC000  }
0x50: {  	_ =	swait.ge [sflag:s23], $0x80  }
0x51: {  	[sflag:s23] =	ssyncset.done $0x0  }
0x52: {  	[sflag:s23] =	ssyncadd.s32 $0xFFFFFF80  }
0x53: {  	[spmem:s3] =	stream.indirect.scatter.add.f32 [tilespmem:s18], [sflag:$0x5], $0x80, s19, s15, $0xb8;
	[tilespmem:$0x1E900] =	vst v63  }
.Ltmp0:
0x54: {  	_ =	swait.ge [sflag:s14], $0x4000;
	(pc) =	sbr.rel @p0 .LBB2_2-.Ltmp0, $4  }
0x55: {  	[sflag:s14] =	ssyncset.done $0x0  }
0x56: {  	[sflag:s14] =	ssyncadd.s32 $0xFFFFC000  }
0x57: {  	[tilespmem:s18], [sflag:$0x2] =	stream.indirect.gather [hbm4b:s1+s15], $0x80, s26, s15, $0xb8;
	[tilespmem:$0x1E900] =	vst v63  }
0x58: {  	s28 =	sadd.s32 $0x2880, s28;
	s26 =	sadd.s32 $0x100, s26  }
0x59: {  	[tilespmem:s19], [sflag:$0x4] =	stream.linear.gather [hbm4b:s28+s4], $0x80, $0x38;
	[tilespmem:$0x1E900] =	vst v63  }
0x5a: {  	_ =	swait.ge [sflag:s20], $0x4000  }
0x5b: {  	[sflag:s20] =	ssyncset.done $0x0  }
0x5c: {  	[sflag:s20] =	ssyncadd.s32 $0xFFFFC000  }
0x5d: {  	_ =	swait.ge [sflag:s21], $0x80  }
0x5e: {  	[sflag:s21] =	ssyncset.done $0x0  }
0x5f: {  	[sflag:s21] =	ssyncadd.s32 $0xFFFFFF80  }
0x60: {  	[spmem:s3] =	stream.indirect.scatter.add.f32 [tilespmem:s16], [sflag:$0x5], $0x80, s17, s15, $0xb8;
	[tilespmem:$0x1E900] =	vst v63  }
0x61: {  	_ =	swait.ge [sflag:s14], $0x4000  }
0x62: {  	[sflag:s14] =	ssyncset.done $0x0  }
0x63: {  	[sflag:s14] =	ssyncadd.s32 $0xFFFFC000  }
0x64: {  	_ =	swait.ge [sflag:s22], $0x4000  }
0x65: {  	[sflag:s22] =	ssyncset.done $0x0  }
0x66: {  	[sflag:s22] =	ssyncadd.s32 $0xFFFFC000  }
0x67: {  	_ =	swait.ge [sflag:s23], $0x80  }
0x68: {  	[sflag:s23] =	ssyncset.done $0x0  }
0x69: {  	[sflag:s23] =	ssyncadd.s32 $0xFFFFFF80  }
0x6a: {  	[spmem:s3] =	stream.indirect.scatter.add.f32 [tilespmem:s18], [sflag:$0x5], $0x80, s19, s15, $0xb8;
	[tilespmem:$0x1E900] =	vst v63  }
0x6b: {  	_ =	swait.ge [sflag:s14], $0x4000  }
0x6c: {  	s24 =	sadd.s32 $0x1, s24;
	[sflag:s14] =	ssyncset.done $0x0  }
0x6d: {  	p0 =	sne.s32 s24, s11;
	[sflag:s14] =	ssyncadd.s32 $0xFFFFC000  }
.Ltmp1:
0x6e: {  	[bflag:$0x0] =	sbarrier.arrive $0xFFFF;
	(pc) =	sbr.rel @p0 .LBB2_1-.Ltmp1, $4  }
0x6f: {  	[hbm:s10], [sflag:s6] =	dma.local [spmem:s13], $0x2800  }
0x70: {  	_ =	swait.ge [sflag:s14], $0x2800  }
0x71: {  	[sflag:s14] =	ssyncset.done $0x0  }
0x72: {  	[sflag:s14] =	ssyncadd.s32 $0xFFFFD800  }
0x73: {  	_ =	sfence.sel $0x180000  }
0x74: {  	[bflag:$0x0] =	sbarrier.arrive $0xFFFF  }
0x75: {  	p0 =	sne.s32 s0, $0x0;
	_ =	strace $0x9000004D  }
0x76: {  	s0 =	sadd.s32 @!p0 $0x100000, s2;
	[bflag:$0x2] =	sbarrier.arrive $0xFFFF  }
0x77: {  	[sflag:s0] =	ssyncadd.tile.s32 @!p0 $0x1;
	_ =	shalt  }
.Lfunc_end2:
_tile_overlayer_lowered:
.L_overlay_start_2:
0x78: {  	(tag) =	ssettag $0x2  }
0x79: {  	s0 =	rddreg [dreg:$0x0];
	s2 =	stileid.u32  }
0x7a: {  	s1 =	rddreg [dreg:$0x1];
	p0 =	sne.s32 s2, $0x0  }
0x7b: {  	s3 =	rddreg [dreg:$0x2];
	[bflag:$0x3] =	sbarrier.arrive $0xFFFF;
	s2 =	simm.s32 @!p0 $0x1C05  }
0x7c: {  	[timem:s3], [sflag:s2] =	dma.local @!p0 [hbm:s0], s1  }
0x7d: {  	s0 =	simm.s32 @!p0 $0x5  }
0x7e: {  	_ =	swait.ge @!p0 [sflag:s0], s1  }
0x7f: {  	s1 =	ssub.s32 @!p0 $0x0, s1;
	[sflag:s0] =	ssyncset.done @!p0 $0x0  }
0x80: {  	[sflag:s0] =	ssyncadd.s32 @!p0 s1  }
0x81: {  	[bflag:$0x3] =	sbarrier.arrive $0xFFFF  }
0x82: {  	_ =	shalt  }

// kernel: kernel.9.cloned.1.call-start
scs
__scs_entry_jumppad:
0x0: {  	(pc) =	sbr.rel $0x88, $3  }
0x1: {  	(tag) =	ssettag $0x0;
	lr =	simm.s32 $0x1  }
0x2: {  	[smem:$0x3F99] =	sst lr;
	_ =	strace $0xD0000000  }
0x3: {  	_ = 	snop  }
0x4: {  	_ = 	snop  }
0x5: {  	_ = 	snop  }
0x6: {  	_ = 	snop  }
0x7: {  	_ = 	snop  }
__scs_overlays_trampoline_lowered:
0x8: {  	[smem:$0x3FA8] =	sst s0  }
0x9: {  	[smem:$0x3FA9] =	sst s1  }
0xa: {  	[smem:$0x3FAA] =	sst s2  }
0xb: {  	[smem:$0x3FAB] =	sst s3  }
0xc: {  	[smem:$0x3FAC] =	sst s4  }
0xd: {  	[smem:$0x3FAD] =	sst s5  }
0xe: {  	[smem:$0x3FAE] =	sst s6  }
0xf: {  	[smem:$0x3FAF] =	sst s7  }
0x10: {  	[smem:$0x3FB0] =	sst s8  }
0x11: {  	[smem:$0x3FB1] =	sst s9;
	s0 =	simm.s32 @!p0 $0x0  }
0x12: {  	s1 =	sld [smem:$0x3F97];
	s0 =	simm.s32 @p0 $0x1  }
0x13: {  	[smem:$0x3FB2] =	sst s0;
	s0 =	simm.s32 @!p1 $0x0  }
0x14: {  	s2 =	sld [smem:$0x3F96];
	s0 =	simm.s32 @p1 $0x1  }
0x15: {  	[smem:$0x3FB3] =	sst s0;
	s0 =	simm.s32 @!p2 $0x0  }
0x16: {  	s3 =	sld [smem:$0x3FDB];
	s0 =	simm.s32 @p2 $0x1  }
0x17: {  	s4 =	simm.s32 $0x1BF5;
	[smem:$0x3FB5] =	sst s0  }
0x18: {  	s0 =	sld [smem:$0x3F98];
	_ =	swait.ge [sflag:s4], $0x0  }
0x19: {  	s7 =	sld [smem:$0x3F99]  }
0x1a: {  	s8 =	sadd.s32 $0xFFFFE003, lr  }
0x1b: {  	s9 =	sadd.s32 $0xFFFFFEF7, lr;
	s5 =	simm.s32 $0xFFFFFFFF;
	p2 =	slt.u32 s8, $0xFFFFF086  }
0x1c: {  	p1 =	slt.u32 s9, $0xF7A;
	s5 =	simm.s32 @!p2 $0x0  }
0x1d: {  	s5 =	simm.s32 @p1 $0x1;
	p0 =	seq.s32 s7, s2  }
0x1e: {  	s7 =	smul.u32 @!p0 $0xF7A, s2;
	p2 =	seq.s32 @!p0 s5, $0x0  }
0x1f: {  	s9 =	smul.u32 $0xF7A, s1;
	s8 =	simm.s32 @!p0 $0x1BF5;
	p2 =	por !p2, p0  }
0x20: {  	[sflag:s8] =	ssyncset.s32 @!p0 $0xFFFFF086;
	s6 =	sadd.s32 @!p0 s3, s7;
	s7 =	simm.s32 @!p0 $0x108  }
0x21: {  	s3 =	sadd.s32 s3, s9;
	s6 =	sadd.s32 @!p0 $0x88, s6;
	s7 =	simm.s32 @p2 $0x1082  }
0x22: {  	[simem:s7], [sflag:s8] =	dma.local @!p0 [hbm:s6], $0xF7A  }
0x23: {  	s9 =	sor.u32 $0xD0000000, s2;
	s6 =	simm.s32 $0x108;
	_ =	swait.ge @!p0 [sflag:s8], $0x0  }
0x24: {  	s3 =	sadd.s32 $0x88, s3;
	s6 =	simm.s32 @!p1 $0x1082;
	[sflag:s4] =	ssyncset.s32 $0xFFFFF086  }
0x25: {  	[simem:s6], [sflag:s4] =	dma.local [hbm:s3], $0xF7A  }
0x26: {  	[smem:$0x3F99] =	sst s1;
	(tag) =	ssettag s2;
	_ =	strace s9  }
0x27: {  	s1 =	sld [smem:$0x3FA9]  }
0x28: {  	s2 =	sld [smem:$0x3FAA]  }
0x29: {  	s4 =	sld [smem:$0x3FAC]  }
0x2a: {  	p0 =	seq.s32 s5, $0x0;
	s5 =	sld [smem:$0x3FAD]  }
0x2b: {  	s6 =	sld [smem:$0x3FAE]  }
0x2c: {  	s7 =	sld [smem:$0x3FAF]  }
0x2d: {  	s3 =	simm.s32 $0x108;
	s8 =	sld [smem:$0x3FB0]  }
0x2e: {  	s3 =	simm.s32 @!p0 $0x1082;
	s9 =	sld [smem:$0x3FB1]  }
0x2f: {  	lr =	sadd.s32 s0, s3;
	s0 =	sld [smem:$0x3FA8]  }
0x30: {  	s3 =	sld [smem:$0x3FAB]  }
0x31: {  	[smem:$0x3FB4] =	sst s10  }
0x32: {  	s10 =	sld [smem:$0x3FB2];
	_ =	sdelay $0x3  }
0x33: {  	p0 =	seq.s32 s10, $0x1;
	s10 =	sld [smem:$0x3FB4];
	_ =	sdelay $0x3  }
0x34: {  	[smem:$0x3FB4] =	sst s10  }
0x35: {  	s10 =	sld [smem:$0x3FB3];
	_ =	sdelay $0x3  }
0x36: {  	p1 =	seq.s32 s10, $0x1;
	s10 =	sld [smem:$0x3FB4];
	_ =	sdelay $0x3  }
0x37: {  	[smem:$0x3FB4] =	sst s10  }
0x38: {  	s10 =	sld [smem:$0x3FB5]  }
0x39: {  	_ = 	snop;
	(pc) =	sbr.ind lr, $3  }
0x3a: {  	_ = 	snop  }
0x3b: {  	_ = 	snop  }
0x3c: {  	p2 =	seq.s32 s10, $0x1;
	s10 =	sld [smem:$0x3FB4]  }
0x3d: {  	_ =	shalt  }
0x3e: {  	_ =	shalt  }
0x3f: {  	_ =	shalt  }
0x40: {  	_ =	shalt  }
0x41: {  	_ =	shalt  }
0x42: {  	_ =	shalt  }
0x43: {  	_ =	shalt  }
0x44: {  	_ =	shalt  }
0x45: {  	_ =	shalt  }
0x46: {  	_ =	shalt  }
0x47: {  	_ =	shalt  }
0x48: {  	_ =	shalt  }
0x49: {  	_ =	shalt  }
0x4a: {  	_ =	shalt  }
0x4b: {  	_ =	shalt  }
0x4c: {  	_ =	shalt  }
0x4d: {  	_ =	shalt  }
0x4e: {  	_ =	shalt  }
0x4f: {  	_ =	shalt  }
0x50: {  	_ =	shalt  }
0x51: {  	_ =	shalt  }
0x52: {  	_ =	shalt  }
0x53: {  	_ =	shalt  }
0x54: {  	_ =	shalt  }
0x55: {  	_ =	shalt  }
0x56: {  	_ =	shalt  }
0x57: {  	_ =	shalt  }
0x58: {  	_ =	shalt  }
0x59: {  	_ =	shalt  }
0x5a: {  	_ =	shalt  }
0x5b: {  	_ =	shalt  }
0x5c: {  	_ =	shalt  }
0x5d: {  	_ =	shalt  }
0x5e: {  	_ =	shalt  }
0x5f: {  	_ =	shalt  }
0x60: {  	_ =	shalt  }
0x61: {  	_ =	shalt  }
0x62: {  	_ =	shalt  }
0x63: {  	_ =	shalt  }
0x64: {  	_ =	shalt  }
0x65: {  	_ =	shalt  }
0x66: {  	_ =	shalt  }
0x67: {  	_ =	shalt  }
0x68: {  	_ =	shalt  }
0x69: {  	_ =	shalt  }
0x6a: {  	_ =	shalt  }
0x6b: {  	_ =	shalt  }
0x6c: {  	_ =	shalt  }
0x6d: {  	_ =	shalt  }
0x6e: {  	_ =	shalt  }
0x6f: {  	_ =	shalt  }
0x70: {  	_ =	shalt  }
0x71: {  	_ =	shalt  }
0x72: {  	_ =	shalt  }
0x73: {  	_ =	shalt  }
0x74: {  	_ =	shalt  }
0x75: {  	_ =	shalt  }
0x76: {  	_ =	shalt  }
0x77: {  	_ =	shalt  }
0x78: {  	_ =	shalt  }
0x79: {  	_ =	shalt  }
0x7a: {  	_ =	shalt  }
0x7b: {  	_ =	shalt  }
0x7c: {  	_ =	shalt  }
0x7d: {  	_ =	shalt  }
0x7e: {  	_ =	shalt  }
0x7f: {  	_ =	shalt  }
0x80: {  	_ =	shalt  }
0x81: {  	_ =	shalt  }
0x82: {  	_ =	shalt  }
0x83: {  	_ =	shalt  }
0x84: {  	_ =	shalt  }
0x85: {  	_ =	shalt  }
0x86: {  	_ =	shalt  }
0x87: {  	_ =	shalt  }
.Lfunc_end0:
.L_simem_size_0:
called_computation_lowered:
.L_overlay_start_0:
0x88: {  	s2 =	sld [smem:$0x3FD9]  }
0x89: {  	s3 =	sld [smem:$0x3FFE];
	_ =	sdelay $0x1  }
0x8a: {  	s1 =	srdreg.scid  }
0x8b: {  	s0 =	sand.u32 $0x1, s1  }
0x8c: {  	s17 =	sshll.u32 s0, $0xA;
	s2 =	sadd.s32 s3, s2  }
0x8d: {  	s2 =	sadd.s32 s2, s17  }
0x8e: {  	[smem:$0x3FC0] =	sst s2  }
0x8f: {  	_ = 	snop  }
0x90: {  	s2 =	sld [smem:$0x3FD0];
	(tm) =	ssettm $0x1  }
0x91: {  	s18 =	sld [smem:$0x3FFB];
	_ =	sdelay $0x3  }
0x92: {  	_ =	strace s18  }
0x93: {  	s3 =	sld [smem:$0x3FFC];
	_ =	sdelay $0x3  }
0x94: {  	_ =	strace s3  }
0x95: {  	s3 =	sld [smem:$0x3FFD];
	_ =	sdelay $0x3  }
0x96: {  	_ =	strace s3  }
0x97: {  	_ =	strace $0x8FFFFFFF  }
0x98: {  	s19 =	sld [smem:$0x3FDB];
	_ =	sdelay $0x1  }
0x99: {  	s4 =	simm.s32 $_scs_section_size  }
0x9a: {  	s5 =	simm.s32 $_size__tile_overlayer_lowered;
	s6 =	simm.s32 $_tile_overlayer_lowered  }
0x9b: {  	s22 =	simm.s32 $0x1BFF;
	s21 =	sshll.u32 s6, $0x1;
	s3 =	sadd.s32 s4, s19  }
0x9c: {  	s7 =	simm.s32 $0x0;
	s20 =	sshll.u32 s5, $0x1;
	s5 =	sadd.s32 s21, s3  }
0x9d: {  	[timem:s7], [sflag:s22] =	dma.local [hbm:s5], s20  }
0x9e: {  	_ =	swait.ge [sflag:s22], s20  }
0x9f: {  	s4 =	ssub.s32 $0x0, s20;
	[sflag:s22] =	ssyncset.done $0x0  }
0xa0: {  	[sflag:s22] =	ssyncadd.s32 s4;
	_ =	sdelay $0x1  }
0xa1: {  	s23 =	simm.s32 $0x1B8B  }
0xa2: {  	_ =	swait.ge [sflag:s23], $0x1  }
0xa3: {  	[sflag:s23] =	ssyncset.done $0x0  }
0xa4: {  	s25 =	simm.s32 $0x1B8E;
	s24 =	sld [smem:$0x3FFE];
	[sflag:s23] =	ssyncadd.s32 $0xFFFFFFFF  }
0xa5: {  	s26 =	simm.s32 $execute0_lowered;
	[smem:$0x3FD2] =	sst s25  }
0xa6: {  	s5 =	sshll.u32 s26, $0x1;
	_ =	strace $0x80000046;
	[dreg:$0x1] =	wrdreg $0xFFFFFFFF  }
0xa7: {  	s28 =	simm.s32 $_size_execute0_lowered;
	s3 =	sadd.s32 s3, s5;
	[dreg:$0x0] =	wrdreg $0x0  }
0xa8: {  	s5 =	sshll.u32 s28, $0x1;
	[dreg:$0x2] =	wrdreg s3  }
0xa9: {  	[dreg:$0x3] =	wrdreg s5  }
0xaa: {  	[dreg:$0x4] =	wrdreg $0xC0  }
0xab: {  	_ =	task [dreg:s7], $0x5FFFF  }
0xac: {  	[dreg:$0x1] =	wrdreg $0xFFFFFFFF  }
0xad: {  	[dreg:$0x0] =	wrdreg $0x60  }
0xae: {  	[dreg:$0x2] =	wrdreg s24  }
0xaf: {  	[dreg:$0x3] =	wrdreg s2  }
0xb0: {  	[dreg:$0x4] =	wrdreg $0x78000  }
0xb1: {  	[dreg:$0x5] =	wrdreg $0x9  }
0xb2: {  	_ =	task.clear_ibuf [dreg:s7], $0x6FFFF;
	_ =	strace $0x90000046  }
0xb3: {  	s29 =	simm.s32 $0x9;
	_ =	strace $0x80000048  }
0xb4: {  	_ =	swait.ge [sflag:s29], $0x1  }
0xb5: {  	[sflag:s29] =	ssyncadd.s32 $0xFFFFFFFF  }
0xb6: {  	_ =	strace $0x90000048  }
0xb7: {  	_ =	sfence  }
0xb8: {  	s30 =	sld [smem:$0x0];
	_ =	sdelay $0x2  }
0xb9: {  	s31 =	sshll.u32 s1, $0xD;
	s1 =	sshrl.u32 s1, $0x2  }
0xba: {  	s3 =	sand.u32 $0x4000, s31;
	s1 =	sadd.s32 s1, s30  }
0xbb: {  	s0 =	sor.u32 s3, s0;
	s1 =	sshll.u32 s1, $0x11  }
0xbc: {  	s0 =	sor.u32 s1, s0  }
0xbd: {  	s0 =	sadd.s32 $0x8F2B, s0  }
0xbe: {  	[sflag:s0] =	ssyncadd.remote.s32 $0x1  }
0xbf: {  	_ =	sfence.sel $0xFFFF  }
0xc0: {  	[dreg:$0x0] =	wrdreg $0xFFFFFFFF;
	(pc) =	sbr.abs _section_cstart, $3  }
0xc1: {  	[dreg:$0x1] =	wrdreg $0xFFFFFFFF  }
0xc2: {  	_ =	task.clear_ibuf [dreg:s7], $0x2FFFF;
	_ =	strace $0x9FFFFFFF  }
0xc3: {  	(tm) =	ssettm $0x7FFFFFFF  }
tec
execute0_lowered:
.L_overlay_start_1:
0x0: {  	(tag) =	ssettag $0x1  }
0x1: {  	s3 =	rddreg [dreg:$0x0]  }
0x2: {  	s6 =	rddreg [dreg:$0x1]  }
0x3: {  	s5 =	rddreg [dreg:$0x2]  }
0x4: {  	s1 =	stileid.u32;
	s0 =	rddreg [dreg:$0x3]  }
0x5: {  	s4 =	srdreg.scid;
	s12 =	simm.s32 $0x1400;
	s13 =	simm.s32 $0x14000  }
0x6: {  	s14 =	simm.s32 $0x5000;
	s15 =	simm.s32 $0x100;
	s16 =	simm.s32 $0x0  }
0x7: {  	s2 =	sshrl.u32 s1, $0x2;
	s8 =	sshll.u32 s1, $0x8;
	s30 =	smul.u32 $0x500, s1  }
0x8: {  	s4 =	sand.u32 $0x1, s4;
	s28 =	sshrl.u32 s1, $0x3;
	s11 =	smul.u32 $0x5000, s1  }
0x9: {  	s10 =	sshll.u32 s1, $0x7;
	s7 =	smul.u32 $0x14000, s2;
	s2 =	simm.s32 $0x0  }
0xa: {  	s8 =	sand.u32 $0x300, s8;
	s9 =	sshll.u32 s4, $0x7;
	s4 =	ssub.s32 $0x2, s4  }
0xb: {  	s10 =	sand.u32 $0x380, s10;
	[smem:$0x7FF] =	sst s2;
	s29 =	sshrl.u32 s4, $0x1  }
0xc: {  	s31 =	sshrl.u32 s11, $0x2;
	s7 =	sor.u32 s7, s8;
	s8 =	smul.u32 $0x50000, s28  }
0xd: {  	s11 =	simm.s32 $0x2800;
	_ =	strace $0x80000047;
	s7 =	sor.u32 s9, s7  }
0xe: {  	s9 =	sor.u32 s9, s30;
	s7 =	sshrl.u32 s7, $0x3;
	s8 =	sshrl.u32 s8, $0x2  }
0xf: {  	s9 =	sshrl.u32 s9, $0x3;
	s3 =	sadd.s32 s7, s3;
	s7 =	ssub.s32 s4, s29  }
0x10: {  	s8 =	sadd.s32 s8, s5;
	s5 =	sadd.s32 s31, s5;
	s6 =	sadd.s32 s6, s9  }
0x11: {  	s9 =	simm.s32 $0x400;
	s3 =	sadd.s32 $0xC200, s3;
	s4 =	sadd.s32 s10, s8  }
0x12: {  	v0 =	vimm.f32 $0.0e+00;
	v1 =	vimm.f32 $1.000000000e+00;
	s7 =	smax.u32 s7, $0x1;
	s8 =	simm.s32 $0x80;
	s10 =	simm.s32 $0x1  }
.LBB2_1:
0x13: {  	[tilespmem:s2], [sflag:$0x1] =	stream.strided.gather [hbm4b:s3+s8], $0x2800, s9, s8, $0x38;
	[tilespmem:$0xA000] =	vst v63  }
0x14: {  	_ =	swait.ge [sflag:s10], $0x2800  }
0x15: {  	[sflag:s10] =	ssyncset.done $0x0  }
0x16: {  	s17 =	simm.s32 $0x0;
	[sflag:s10] =	ssyncadd.s32 $0xFFFFD800  }
.LBB2_2:
0x17: {  	p0 =	sne.s32 s17, $0x9FC0  }
.Ltmp0:
0x18: {  	_ = 	snop;
	(pc) =	sbr.rel @p0 .LBB2_2-.Ltmp0, $3  }
0x19: {  	_ =	sdelay $0x1  }
0x1a: {  	s18 =	sshra.s32 s17, $0x2  }
0x1b: {  	s17 =	sadd.s32 $0x40, s17;
	[tilespmem:s18+$0x2800] =	vst v0  }
0x1c: {  	s18 =	simm.s32 $0x0;
	s17 =	simm.s32 $0x40  }
.LBB2_4:
0x1d: {  	p0 =	sne.s32 s17, $0x9FC0;
	v2 =	vld [tilespmem:s18+$0x0];
	_ =	sdelay $0x3  }
.Ltmp1:
0x1e: {  	(pc) =	sbr.rel @p0 .LBB2_4-.Ltmp1, $2  }
0x1f: {  	_ =	sdelay $0x2  }
0x20: {  	s18 =	sshra.s32 s17, $0x2;
	s17 =	sadd.s32 $0x40, s17;
	[tilespmem:v2+s11+$0x0] =	vst.idx.add.f32.msk $0xffff, v1  }
0x21: {  	v2 =	vld [tilespmem:s18+$0x0];
	_ =	sdelay $0x7  }
0x22: {  	s17 =	simm.s32 $0x2800;
	[tilespmem:v2+s11+$0x0] =	vst.idx.add.f32.msk $0xffff, v1  }
0x23: {  	[spmem:s4] =	stream.strided.scatter [tilespmem:s17], [sflag:$0x1], $0x2800, s9, s8, $0x38;
	[tilespmem:$0xA000] =	vst v63  }
0x24: {  	_ =	swait.ge [sflag:s10], $0x2800  }
0x25: {  	[sflag:s10] =	ssyncset.done $0x0  }
0x26: {  	[sflag:s10] =	ssyncadd.s32 $0xFFFFD800  }
0x27: {  	[bflag:$0x0] =	sbarrier.arrive $0xFFFF  }
0x28: {  	[tilespmem:s14], [sflag:$0x1] =	stream.strided.gather [spmem:s5], $0x2800, s13, s12, $0x38;
	[tilespmem:$0xA000] =	vst v63  }
0x29: {  	s30 =	simm.s32 $0x0;
	_ =	swait.ge [sflag:s10], $0x2800  }
0x2a: {  	s19 =	sand.u32 $0x70, s30;
	s18 =	sand.u32 $0x1C00, s30;
	[sflag:s10] =	ssyncset.done $0x0  }
0x2b: {  	s18 =	sor.u32 s19, s18;
	[sflag:s10] =	ssyncadd.s32 $0xFFFFD800  }
0x2c: {  	v2 =	vld [tilespmem:s18+$0x5080]  }
0x2d: {  	v3 =	vld [tilespmem:s18+$0x5000];
	_ =	sdelay $0x1  }
0x2e: {  	v4 =	vld [tilespmem:s18+$0x5100];
	_ =	sdelay $0x1  }
0x2f: {  	v5 =	vld [tilespmem:s18+$0x5180]  }
0x30: {  	v2 =	vadd.f32 v2, v3  }
0x31: {  	v3 =	vld [tilespmem:s18+$0x5200]  }
0x32: {  	v2 =	vadd.f32 v4, v2  }
0x33: {  	v56 =	vld [tilespmem:s18+$0x5280]  }
0x34: {  	v2 =	vadd.f32 v5, v2  }
0x35: {  	v57 =	vld [tilespmem:s18+$0x5300]  }
0x36: {  	v2 =	vadd.f32 v3, v2  }
0x37: {  	v3 =	vld [tilespmem:s18+$0x5380]  }
0x38: {  	v2 =	vadd.f32 v56, v2  }
0x39: {  	v58 =	vld [tilespmem:s18+$0x6400]  }
0x3a: {  	v2 =	vadd.f32 v57, v2  }
0x3b: {  	v59 =	vld [tilespmem:s18+$0x6480]  }
0x3c: {  	v2 =	vadd.f32 v3, v2  }
0x3d: {  	v3 =	vld [tilespmem:s18+$0x6500]  }
0x3e: {  	v2 =	vadd.f32 v58, v2  }
0x3f: {  	v60 =	vld [tilespmem:s18+$0x6580]  }
0x40: {  	v2 =	vadd.f32 v59, v2  }
0x41: {  	v61 =	vld [tilespmem:s18+$0x6600]  }
0x42: {  	v2 =	vadd.f32 v3, v2  }
0x43: {  	v3 =	vld [tilespmem:s18+$0x6680]  }
0x44: {  	v2 =	vadd.f32 v60, v2  }
0x45: {  	v62 =	vld [tilespmem:s18+$0x6700]  }
0x46: {  	v2 =	vadd.f32 v61, v2  }
0x47: {  	v63 =	vld [tilespmem:s18+$0x6780]  }
0x48: {  	v2 =	vadd.f32 v3, v2;
	_ =	sdelay $0x1  }
0x49: {  	v2 =	vadd.f32 v62, v2;
	_ =	sdelay $0x1  }
0x4a: {  	s31 =	simm.s32 $0x10;
	s19 =	simm.s32 $0x80;
	v2 =	vadd.f32 v63, v2  }
0x4b: {  	s20 =	sand.u32 $0x1C00, s19;
	s18 =	sand.u32 $0x70, s31  }
0x4c: {  	s18 =	sor.u32 s18, s20;
	s20 =	simm.s32 $0x20;
	[tilespmem:s17+$0x0] =	vst v2  }
.LBB2_6:
0x4d: {  	p0 =	sne.s32 s20, $0x270;
	v2 =	vld [tilespmem:s18+$0x5080]  }
0x4e: {  	v3 =	vld [tilespmem:s18+$0x5000];
	_ =	sdelay $0x1  }
0x4f: {  	v4 =	vld [tilespmem:s18+$0x5100];
	_ =	sdelay $0x1  }
0x50: {  	v5 =	vld [tilespmem:s18+$0x5180]  }
0x51: {  	v2 =	vadd.f32 v2, v3  }
0x52: {  	v3 =	vld [tilespmem:s18+$0x5200]  }
0x53: {  	v2 =	vadd.f32 v4, v2  }
0x54: {  	v4 =	vld [tilespmem:s18+$0x5280]  }
0x55: {  	v2 =	vadd.f32 v5, v2  }
0x56: {  	v5 =	vld [tilespmem:s18+$0x5300]  }
0x57: {  	v2 =	vadd.f32 v3, v2  }
0x58: {  	v3 =	vld [tilespmem:s18+$0x5380]  }
0x59: {  	v2 =	vadd.f32 v4, v2  }
0x5a: {  	v4 =	vld [tilespmem:s18+$0x6400]  }
0x5b: {  	v2 =	vadd.f32 v5, v2  }
0x5c: {  	v5 =	vld [tilespmem:s18+$0x6480]  }
0x5d: {  	v2 =	vadd.f32 v3, v2  }
0x5e: {  	v3 =	vld [tilespmem:s18+$0x6500]  }
0x5f: {  	v2 =	vadd.f32 v4, v2  }
0x60: {  	v4 =	vld [tilespmem:s18+$0x6580]  }
0x61: {  	v2 =	vadd.f32 v5, v2  }
0x62: {  	v5 =	vld [tilespmem:s18+$0x6600]  }
0x63: {  	v2 =	vadd.f32 v3, v2  }
0x64: {  	v3 =	vld [tilespmem:s18+$0x6680]  }
0x65: {  	v2 =	vadd.f32 v4, v2  }
0x66: {  	v4 =	vld [tilespmem:s18+$0x6700]  }
0x67: {  	v2 =	vadd.f32 v5, v2  }
0x68: {  	v5 =	vld [tilespmem:s18+$0x6780]  }
0x69: {  	v2 =	vadd.f32 v3, v2;
	_ =	sdelay $0x1  }
.Ltmp2:
0x6a: {  	v2 =	vadd.f32 v4, v2;
	(pc) =	sbr.rel @p0 .LBB2_6-.Ltmp2, $4  }
0x6b: {  	_ = 	snop  }
0x6c: {  	s19 =	sadd.s32 $0x80, s19;
	v2 =	vadd.f32 v5, v2  }
0x6d: {  	s17 =	sadd.s32 $0x10, s17;
	s21 =	sand.u32 $0x1C00, s19;
	s18 =	sand.u32 $0x70, s20  }
0x6e: {  	s20 =	sadd.s32 $0x10, s20;
	s18 =	sor.u32 s18, s21;
	[tilespmem:s17+$0x0] =	vst v2  }
0x6f: {  	v2 =	vld [tilespmem:s18+$0x5080]  }
0x70: {  	v3 =	vld [tilespmem:s18+$0x5000];
	_ =	sdelay $0x1  }
0x71: {  	v4 =	vld [tilespmem:s18+$0x5100];
	_ =	sdelay $0x1  }
0x72: {  	v5 =	vld [tilespmem:s18+$0x5180]  }
0x73: {  	v2 =	vadd.f32 v2, v3  }
0x74: {  	v3 =	vld [tilespmem:s18+$0x5200]  }
0x75: {  	v2 =	vadd.f32 v4, v2  }
0x76: {  	v56 =	vld [tilespmem:s18+$0x5280]  }
0x77: {  	v2 =	vadd.f32 v5, v2  }
0x78: {  	v57 =	vld [tilespmem:s18+$0x5300]  }
0x79: {  	v2 =	vadd.f32 v3, v2  }
0x7a: {  	v3 =	vld [tilespmem:s18+$0x5380]  }
0x7b: {  	v2 =	vadd.f32 v56, v2  }
0x7c: {  	v58 =	vld [tilespmem:s18+$0x6400]  }
0x7d: {  	v2 =	vadd.f32 v57, v2  }
0x7e: {  	v59 =	vld [tilespmem:s18+$0x6480]  }
0x7f: {  	v2 =	vadd.f32 v3, v2  }
0x80: {  	v3 =	vld [tilespmem:s18+$0x6500]  }
0x81: {  	v2 =	vadd.f32 v58, v2  }
0x82: {  	v60 =	vld [tilespmem:s18+$0x6580]  }
0x83: {  	v2 =	vadd.f32 v59, v2  }
0x84: {  	v61 =	vld [tilespmem:s18+$0x6600]  }
0x85: {  	v2 =	vadd.f32 v3, v2  }
0x86: {  	v3 =	vld [tilespmem:s18+$0x6680]  }
0x87: {  	v2 =	vadd.f32 v60, v2  }
0x88: {  	v62 =	vld [tilespmem:s18+$0x6700]  }
0x89: {  	v2 =	vadd.f32 v61, v2  }
0x8a: {  	v63 =	vld [tilespmem:s18+$0x6780]  }
0x8b: {  	v2 =	vadd.f32 v3, v2;
	_ =	sdelay $0x1  }
0x8c: {  	v2 =	vadd.f32 v62, v2;
	_ =	sdelay $0x1  }
0x8d: {  	s16 =	sadd.s32 $0x1, s16;
	v2 =	vadd.f32 v63, v2  }
0x8e: {  	s17 =	sadd.s32 $0x10, s17;
	p0 =	sne.s32 s16, s7  }
.Ltmp3:
0x8f: {  	[tilespmem:s17+$0x0] =	vst v2;
	(pc) =	sbr.rel @p0 .LBB2_1-.Ltmp3, $4  }
0x90: {  	[hbm4b:s6+s8] =	stream.strided.scatter [tilespmem:s11], [sflag:$0x1], $0x280, s15, s8, $0x38;
	[tilespmem:$0xA000] =	vst v63  }
0x91: {  	_ =	swait.ge [sflag:s10], $0x280  }
0x92: {  	[sflag:s10] =	ssyncset.done $0x0  }
0x93: {  	[sflag:s10] =	ssyncadd.s32 $0xFFFFFD80  }
0x94: {  	_ =	sfence.sel $0x180000  }
0x95: {  	[bflag:$0x0] =	sbarrier.arrive $0xFFFF  }
0x96: {  	p0 =	sne.s32 s1, $0x0;
	_ =	strace $0x90000047  }
0x97: {  	s0 =	sadd.s32 @!p0 $0x100000, s0;
	[bflag:$0x2] =	sbarrier.arrive $0xFFFF  }
0x98: {  	[sflag:s0] =	ssyncadd.tile.s32 @!p0 $0x1;
	_ =	shalt  }
.Lfunc_end2:
_tile_overlayer_lowered:
.L_overlay_start_2:
0x99: {  	(tag) =	ssettag $0x2  }
0x9a: {  	s0 =	rddreg [dreg:$0x0];
	s2 =	stileid.u32  }
0x9b: {  	s1 =	rddreg [dreg:$0x1];
	p0 =	sne.s32 s2, $0x0  }
0x9c: {  	s3 =	rddreg [dreg:$0x2];
	[bflag:$0x3] =	sbarrier.arrive $0xFFFF;
	s2 =	simm.s32 @!p0 $0x1C01  }
0x9d: {  	[timem:s3], [sflag:s2] =	dma.local @!p0 [hbm:s0], s1  }
0x9e: {  	s0 =	simm.s32 @!p0 $0x1  }
0x9f: {  	_ =	swait.ge @!p0 [sflag:s0], s1  }
0xa0: {  	s1 =	ssub.s32 @!p0 $0x0, s1;
	[sflag:s0] =	ssyncset.done @!p0 $0x0  }
0xa1: {  	[sflag:s0] =	ssyncadd.s32 @!p0 s1  }
0xa2: {  	[bflag:$0x3] =	sbarrier.arrive $0xFFFF  }
0xa3: {  	_ =	shalt  }

</sc_bundles>
